<compile_context>
chip_gen: v7x
topology: tpu7x:2x2x1
jax: 0.10.2.dev20260603
libtpu: 0.0.44.dev20260713+nightly
codegen_flags: <defaults>
</compile_context>

<pallas_src>
import functools

import jax
import jax.numpy as jnp
from jax import lax
from jax.experimental import pallas as pl
from jax.experimental.pallas import tpu as pltpu
from jax.experimental.pallas import tpu_sc as plsc

NUM_CORES = 2
NUM_SUBCORES = 16
NUM_WORKERS = NUM_CORES * NUM_SUBCORES
CHUNK = 256
NBUF = 2


@functools.partial(jax.jit, static_argnums=(2, 3))
def _sc_gather(ids2d, table, n_chunks_per_worker, embed):
    cpw = n_chunks_per_worker
    n_rows = ids2d.shape[0] * CHUNK
    mesh = plsc.VectorSubcoreMesh(
        core_axis_name="c", subcore_axis_name="s",
        num_cores=NUM_CORES, num_subcores=NUM_SUBCORES)

    @functools.partial(
        pl.kernel,
        out_type=jax.ShapeDtypeStruct((n_rows, embed), jnp.float32),
        mesh=mesh,
        scratch_types=(
            [pltpu.VMEM((cpw, CHUNK), jnp.int32),
             pltpu.VMEM((2 * NBUF, CHUNK, embed), jnp.float32)]
            + [pltpu.SemaphoreType.DMA] * (4 * NBUF)),
        compiler_params=pltpu.CompilerParams(use_tc_tiling_on_sc=False),
    )
    def run(ids_hbm, table_hbm, out_hbm, idx_v, rows_v, *sems):
        gsem = sems[:2 * NBUF]
        fsem = sems[2 * NBUF:]
        wid = lax.axis_index("s") * NUM_CORES + lax.axis_index("c")
        chunk0 = wid * cpw

        pltpu.sync_copy(ids_hbm.at[pl.ds(chunk0, cpw)], idx_v)

        def gather(j, b):
            return pltpu.make_async_copy(
                table_hbm.at[idx_v.at[j]], rows_v.at[b], gsem[b])

        def flush(j, b):
            return pltpu.make_async_copy(
                rows_v.at[b],
                out_hbm.at[pl.ds((chunk0 + j) * CHUNK, CHUNK)],
                fsem[b])

        n_rounds = cpw // NBUF
        assert n_rounds % 2 == 0 and n_rounds >= 4

        def round_ab(r, bank):
            for b in range(NBUF):
                gather(r * NBUF + b, bank * NBUF + b).wait()
            for b in range(NBUF):
                flush(r * NBUF + b, bank * NBUF + b).start()

        def round_cd(r, bank, refill):
            for b in range(NBUF):
                flush((r - 1) * NBUF + b, (1 - bank) * NBUF + b).wait()
            if refill:
                for b in range(NBUF):
                    gather((r + 1) * NBUF + b, (1 - bank) * NBUF + b).start()

        for b in range(NBUF):
            gather(b, b).start()
        for b in range(NBUF):
            gather(NBUF + b, NBUF + b).start()
        round_ab(0, 0)

        def pair_body(p, carry):
            r = 2 * p + 1
            round_ab(r, 1)
            round_cd(r, 1, True)
            round_ab(r + 1, 0)
            round_cd(r + 1, 0, True)
            return carry

        lax.fori_loop(0, (n_rounds - 4) // 2, pair_body, 0, unroll=False)
        for r in range(n_rounds - 3, n_rounds):
            round_ab(r, r % 2)
            round_cd(r, r % 2, r < n_rounds - 1)
        for b in range(NBUF):
            flush((n_rounds - 1) * NBUF + b,
                  ((n_rounds - 1) % 2) * NBUF + b).wait()

    return run(ids2d, table)


def kernel(encoder_weight, category_ids):
    batch, fields = category_ids.shape
    vocab, embed = encoder_weight.shape
    n = batch * fields
    span = n // NUM_WORKERS
    assert n % (NUM_WORKERS * CHUNK) == 0 and span % (CHUNK * NBUF) == 0
    ids2d = category_ids.reshape(n // CHUNK, CHUNK)
    out = _sc_gather(ids2d, encoder_weight, span // CHUNK, embed)
    return out.reshape(batch, fields, embed)

# --- scband reference (transcript-rebuilt; emitter-appended) ---
"""Pipeline reference for scband-categorical-column-adapter-49460843381644 (READ-ONLY COPY).

The authoritative reference and input builder live on the scoring server;
editing this copy changes nothing except your own understanding.
"""

import jax, jax.numpy as jnp
import numpy as np

NUM_CATEGORIES = 1000000
EMBED = 64
BATCH = 16384
FIELDS = 26


def setup_inputs(seed: int = 0) -> dict:
    key = jax.random.key(seed)
    k1, k2 = jax.random.split(key)
    category_ids = jax.random.randint(k1, (BATCH, FIELDS), 0, NUM_CATEGORIES, dtype=jnp.int32)
    encoder_weight = jax.random.normal(k2, (NUM_CATEGORIES, EMBED), dtype=jnp.float32) * 0.02
    return {"encoder_weight": encoder_weight, "category_ids": category_ids}


def reference(encoder_weight, category_ids):
    # Faithful translation of _CategoricalColumnAdapter.encode:
    #   self.encoder(category_ids) -> embedding table gather
    return jnp.take(encoder_weight, category_ids, axis=0)

if __name__ == "__main__":
    import jax
    _d = setup_inputs()
    print(jax.jit(kernel)(*tuple(_d.values())))

</pallas_src>

<mosaic_0001>
#map = affine_map<(d0, d1) -> (0, 0)>
module attributes {stable_mosaic.version = 14 : i64} {
  func.func @run(%arg0: i32, %arg1: i32, %arg2: memref<1664x256xi32, #tpu.memory_space<hbm>>, %arg3: memref<1000000x64xf32, #tpu.memory_space<hbm>>, %arg4: memref<425984x64xf32, #tpu.memory_space<hbm>>, %arg5: memref<52x256xi32, #tpu.memory_space<vmem>>, %arg6: memref<4x256x64xf32, #tpu.memory_space<vmem>>, %arg7: memref<!tpu.dma_semaphore, #tpu.memory_space<semaphore_mem>>, %arg8: memref<!tpu.dma_semaphore, #tpu.memory_space<semaphore_mem>>, %arg9: memref<!tpu.dma_semaphore, #tpu.memory_space<semaphore_mem>>, %arg10: memref<!tpu.dma_semaphore, #tpu.memory_space<semaphore_mem>>, %arg11: memref<!tpu.dma_semaphore, #tpu.memory_space<semaphore_mem>>, %arg12: memref<!tpu.dma_semaphore, #tpu.memory_space<semaphore_mem>>, %arg13: memref<!tpu.dma_semaphore, #tpu.memory_space<semaphore_mem>>, %arg14: memref<!tpu.dma_semaphore, #tpu.memory_space<semaphore_mem>>) attributes {dimension_semantics = [#tpu.dimension_semantics<core_parallel>, #tpu.dimension_semantics<subcore_parallel>], iteration_bounds = array<i64: 2, 16>, scalar_prefetch = 0 : i64, scratch_operands = 10 : i64, tpu.core_type = #tpu.core_type<sc_vector_subcore>, window_params = [{transform_indices = #map}, {transform_indices = #map}, {transform_indices = #map}]} {
    %mul3A = arith.constant 2 : i32
    %mul3A_0 = arith.muli %arg1, %mul3A : i32
    %add3A = arith.addi %mul3A_0, %arg0 : i32
    %mul3A_1 = arith.constant 52 : i32
    %mul3A_2 = arith.muli %add3A, %mul3A_1 : i32
    "tpu.region"() ({
      %run_scoped3A = tpu.sem_alloc : memref<!tpu.dma_semaphore, #tpu.memory_space<semaphore_mem>>
      %dma_start3A_470 = arith.constant 0 : i32
      %dma_start3A_471 = tpu.memref_slice %arg2[%mul3A_2, %dma_start3A_470] : memref<1664x256xi32, #tpu.memory_space<hbm>> -> memref<52x256xi32, #tpu.memory_space<hbm>>
      %dma_start3A_472 = arith.constant 0 : i32
      %dma_start3A_473 = tpu.memref_slice %arg2[%mul3A_2, %dma_start3A_472] : memref<1664x256xi32, #tpu.memory_space<hbm>> -> memref<52x256xi32, #tpu.memory_space<hbm>>
      tpu.enqueue_dma source(%dma_start3A_473 : memref<52x256xi32, #tpu.memory_space<hbm>>) target(%arg5 : memref<52x256xi32, #tpu.memory_space<vmem>>) target_semaphore(%run_scoped3A : memref<!tpu.dma_semaphore, #tpu.memory_space<semaphore_mem>>)
      %dma_wait3A_474 = arith.constant 0 : i32
      %dma_wait3A_475 = tpu.memref_slice %arg2[%mul3A_2, %dma_wait3A_474] : memref<1664x256xi32, #tpu.memory_space<hbm>> -> memref<52x256xi32, #tpu.memory_space<hbm>>
      %dma_wait3A_476 = arith.constant 0 : i32
      %dma_wait3A_477 = tpu.memref_slice %arg2[%mul3A_2, %dma_wait3A_476] : memref<1664x256xi32, #tpu.memory_space<hbm>> -> memref<52x256xi32, #tpu.memory_space<hbm>>
      tpu.wait_dma2 semaphore(%run_scoped3A : memref<!tpu.dma_semaphore, #tpu.memory_space<semaphore_mem>>) src(%dma_wait3A_477 : memref<52x256xi32, #tpu.memory_space<hbm>>) dst(%arg5 : memref<52x256xi32, #tpu.memory_space<vmem>>)
      tpu.yield
    }) : () -> ()
    %dma_start3A = arith.constant 0 : i32
    %dma_start3A_3 = arith.constant 0 : i32
    %dma_start3A_4 = arith.constant 0 : i32
    %dma_start3A_5 = arith.constant 0 : i32
    %dma_start3A_6 = tpu.memref_slice %arg6[%dma_start3A_3, %dma_start3A_4, %dma_start3A_5] : memref<4x256x64xf32, #tpu.memory_space<vmem>> -> memref<1x256x64xf32, #tpu.memory_space<vmem>>
    %dma_start3A_7 = tpu.memref_squeeze %dma_start3A_6 : memref<1x256x64xf32, #tpu.memory_space<vmem>> -> memref<256x64xf32, #tpu.memory_space<vmem>>
    %dma_start3A_8 = arith.constant 0 : i32
    %dma_start3A_9 = tpu.memref_slice %arg5[%dma_start3A, %dma_start3A_8] : memref<52x256xi32, #tpu.memory_space<vmem>> -> memref<1x256xi32, #tpu.memory_space<vmem>>
    %dma_start3A_10 = tpu.memref_squeeze %dma_start3A_9 : memref<1x256xi32, #tpu.memory_space<vmem>> -> memref<256xi32, #tpu.memory_space<vmem>>
    %dma_start3A_11 = arith.constant 0 : i32
    %dma_start3A_12 = arith.constant 0 : i32
    %dma_start3A_13 = tpu.memref_slice %arg3[%dma_start3A_11, %dma_start3A_12] : memref<1000000x64xf32, #tpu.memory_space<hbm>> -> memref<1000000x64xf32, #tpu.memory_space<hbm>>
    tpu.enqueue_indirect_dma source(%dma_start3A_13 : memref<1000000x64xf32, #tpu.memory_space<hbm>>) target(%dma_start3A_7 : memref<256x64xf32, #tpu.memory_space<vmem>>) offsets(%dma_start3A_10 : memref<256xi32, #tpu.memory_space<vmem>>) semaphore(%arg7 : memref<!tpu.dma_semaphore, #tpu.memory_space<semaphore_mem>>)
    %dma_start3A_14 = arith.constant 1 : i32
    %dma_start3A_15 = arith.constant 1 : i32
    %dma_start3A_16 = arith.constant 0 : i32
    %dma_start3A_17 = arith.constant 0 : i32
    %dma_start3A_18 = tpu.memref_slice %arg6[%dma_start3A_15, %dma_start3A_16, %dma_start3A_17] : memref<4x256x64xf32, #tpu.memory_space<vmem>> -> memref<1x256x64xf32, #tpu.memory_space<vmem>>
    %dma_start3A_19 = tpu.memref_squeeze %dma_start3A_18 : memref<1x256x64xf32, #tpu.memory_space<vmem>> -> memref<256x64xf32, #tpu.memory_space<vmem>>
    %dma_start3A_20 = arith.constant 0 : i32
    %dma_start3A_21 = tpu.memref_slice %arg5[%dma_start3A_14, %dma_start3A_20] : memref<52x256xi32, #tpu.memory_space<vmem>> -> memref<1x256xi32, #tpu.memory_space<vmem>>
    %dma_start3A_22 = tpu.memref_squeeze %dma_start3A_21 : memref<1x256xi32, #tpu.memory_space<vmem>> -> memref<256xi32, #tpu.memory_space<vmem>>
    %dma_start3A_23 = arith.constant 0 : i32
    %dma_start3A_24 = arith.constant 0 : i32
    %dma_start3A_25 = tpu.memref_slice %arg3[%dma_start3A_23, %dma_start3A_24] : memref<1000000x64xf32, #tpu.memory_space<hbm>> -> memref<1000000x64xf32, #tpu.memory_space<hbm>>
    tpu.enqueue_indirect_dma source(%dma_start3A_25 : memref<1000000x64xf32, #tpu.memory_space<hbm>>) target(%dma_start3A_19 : memref<256x64xf32, #tpu.memory_space<vmem>>) offsets(%dma_start3A_22 : memref<256xi32, #tpu.memory_space<vmem>>) semaphore(%arg8 : memref<!tpu.dma_semaphore, #tpu.memory_space<semaphore_mem>>)
    %dma_start3A_26 = arith.constant 2 : i32
    %dma_start3A_27 = arith.constant 2 : i32
    %dma_start3A_28 = arith.constant 0 : i32
    %dma_start3A_29 = arith.constant 0 : i32
    %dma_start3A_30 = tpu.memref_slice %arg6[%dma_start3A_27, %dma_start3A_28, %dma_start3A_29] : memref<4x256x64xf32, #tpu.memory_space<vmem>> -> memref<1x256x64xf32, #tpu.memory_space<vmem>>
    %dma_start3A_31 = tpu.memref_squeeze %dma_start3A_30 : memref<1x256x64xf32, #tpu.memory_space<vmem>> -> memref<256x64xf32, #tpu.memory_space<vmem>>
    %dma_start3A_32 = arith.constant 0 : i32
    %dma_start3A_33 = tpu.memref_slice %arg5[%dma_start3A_26, %dma_start3A_32] : memref<52x256xi32, #tpu.memory_space<vmem>> -> memref<1x256xi32, #tpu.memory_space<vmem>>
    %dma_start3A_34 = tpu.memref_squeeze %dma_start3A_33 : memref<1x256xi32, #tpu.memory_space<vmem>> -> memref<256xi32, #tpu.memory_space<vmem>>
    %dma_start3A_35 = arith.constant 0 : i32
    %dma_start3A_36 = arith.constant 0 : i32
    %dma_start3A_37 = tpu.memref_slice %arg3[%dma_start3A_35, %dma_start3A_36] : memref<1000000x64xf32, #tpu.memory_space<hbm>> -> memref<1000000x64xf32, #tpu.memory_space<hbm>>
    tpu.enqueue_indirect_dma source(%dma_start3A_37 : memref<1000000x64xf32, #tpu.memory_space<hbm>>) target(%dma_start3A_31 : memref<256x64xf32, #tpu.memory_space<vmem>>) offsets(%dma_start3A_34 : memref<256xi32, #tpu.memory_space<vmem>>) semaphore(%arg9 : memref<!tpu.dma_semaphore, #tpu.memory_space<semaphore_mem>>)
    %dma_start3A_38 = arith.constant 3 : i32
    %dma_start3A_39 = arith.constant 3 : i32
    %dma_start3A_40 = arith.constant 0 : i32
    %dma_start3A_41 = arith.constant 0 : i32
    %dma_start3A_42 = tpu.memref_slice %arg6[%dma_start3A_39, %dma_start3A_40, %dma_start3A_41] : memref<4x256x64xf32, #tpu.memory_space<vmem>> -> memref<1x256x64xf32, #tpu.memory_space<vmem>>
    %dma_start3A_43 = tpu.memref_squeeze %dma_start3A_42 : memref<1x256x64xf32, #tpu.memory_space<vmem>> -> memref<256x64xf32, #tpu.memory_space<vmem>>
    %dma_start3A_44 = arith.constant 0 : i32
    %dma_start3A_45 = tpu.memref_slice %arg5[%dma_start3A_38, %dma_start3A_44] : memref<52x256xi32, #tpu.memory_space<vmem>> -> memref<1x256xi32, #tpu.memory_space<vmem>>
    %dma_start3A_46 = tpu.memref_squeeze %dma_start3A_45 : memref<1x256xi32, #tpu.memory_space<vmem>> -> memref<256xi32, #tpu.memory_space<vmem>>
    %dma_start3A_47 = arith.constant 0 : i32
    %dma_start3A_48 = arith.constant 0 : i32
    %dma_start3A_49 = tpu.memref_slice %arg3[%dma_start3A_47, %dma_start3A_48] : memref<1000000x64xf32, #tpu.memory_space<hbm>> -> memref<1000000x64xf32, #tpu.memory_space<hbm>>
    tpu.enqueue_indirect_dma source(%dma_start3A_49 : memref<1000000x64xf32, #tpu.memory_space<hbm>>) target(%dma_start3A_43 : memref<256x64xf32, #tpu.memory_space<vmem>>) offsets(%dma_start3A_46 : memref<256xi32, #tpu.memory_space<vmem>>) semaphore(%arg10 : memref<!tpu.dma_semaphore, #tpu.memory_space<semaphore_mem>>)
    %dma_wait3A = arith.constant 0 : i32
    %dma_wait3A_50 = arith.constant 0 : i32
    %dma_wait3A_51 = arith.constant 0 : i32
    %dma_wait3A_52 = arith.constant 0 : i32
    %dma_wait3A_53 = tpu.memref_slice %arg6[%dma_wait3A_50, %dma_wait3A_51, %dma_wait3A_52] : memref<4x256x64xf32, #tpu.memory_space<vmem>> -> memref<1x256x64xf32, #tpu.memory_space<vmem>>
    %dma_wait3A_54 = tpu.memref_squeeze %dma_wait3A_53 : memref<1x256x64xf32, #tpu.memory_space<vmem>> -> memref<256x64xf32, #tpu.memory_space<vmem>>
    %dma_wait3A_55 = arith.constant 0 : i32
    %dma_wait3A_56 = tpu.memref_slice %arg5[%dma_wait3A, %dma_wait3A_55] : memref<52x256xi32, #tpu.memory_space<vmem>> -> memref<1x256xi32, #tpu.memory_space<vmem>>
    %dma_wait3A_57 = tpu.memref_squeeze %dma_wait3A_56 : memref<1x256xi32, #tpu.memory_space<vmem>> -> memref<256xi32, #tpu.memory_space<vmem>>
    %dma_wait3A_58 = arith.constant 0 : i32
    %dma_wait3A_59 = arith.constant 0 : i32
    %dma_wait3A_60 = tpu.memref_slice %arg3[%dma_wait3A_58, %dma_wait3A_59] : memref<1000000x64xf32, #tpu.memory_space<hbm>> -> memref<1000000x64xf32, #tpu.memory_space<hbm>>
    tpu.wait_indirect_dma semaphore(%arg7 : memref<!tpu.dma_semaphore, #tpu.memory_space<semaphore_mem>>) src(%dma_wait3A_60 : memref<1000000x64xf32, #tpu.memory_space<hbm>>) dst(%dma_wait3A_54 : memref<256x64xf32, #tpu.memory_space<vmem>>)
    %dma_wait3A_61 = arith.constant 1 : i32
    %dma_wait3A_62 = arith.constant 1 : i32
    %dma_wait3A_63 = arith.constant 0 : i32
    %dma_wait3A_64 = arith.constant 0 : i32
    %dma_wait3A_65 = tpu.memref_slice %arg6[%dma_wait3A_62, %dma_wait3A_63, %dma_wait3A_64] : memref<4x256x64xf32, #tpu.memory_space<vmem>> -> memref<1x256x64xf32, #tpu.memory_space<vmem>>
    %dma_wait3A_66 = tpu.memref_squeeze %dma_wait3A_65 : memref<1x256x64xf32, #tpu.memory_space<vmem>> -> memref<256x64xf32, #tpu.memory_space<vmem>>
    %dma_wait3A_67 = arith.constant 0 : i32
    %dma_wait3A_68 = tpu.memref_slice %arg5[%dma_wait3A_61, %dma_wait3A_67] : memref<52x256xi32, #tpu.memory_space<vmem>> -> memref<1x256xi32, #tpu.memory_space<vmem>>
    %dma_wait3A_69 = tpu.memref_squeeze %dma_wait3A_68 : memref<1x256xi32, #tpu.memory_space<vmem>> -> memref<256xi32, #tpu.memory_space<vmem>>
    %dma_wait3A_70 = arith.constant 0 : i32
    %dma_wait3A_71 = arith.constant 0 : i32
    %dma_wait3A_72 = tpu.memref_slice %arg3[%dma_wait3A_70, %dma_wait3A_71] : memref<1000000x64xf32, #tpu.memory_space<hbm>> -> memref<1000000x64xf32, #tpu.memory_space<hbm>>
    tpu.wait_indirect_dma semaphore(%arg8 : memref<!tpu.dma_semaphore, #tpu.memory_space<semaphore_mem>>) src(%dma_wait3A_72 : memref<1000000x64xf32, #tpu.memory_space<hbm>>) dst(%dma_wait3A_66 : memref<256x64xf32, #tpu.memory_space<vmem>>)
    %add3A_73 = arith.constant 0 : i32
    %add3A_74 = arith.addi %mul3A_2, %add3A_73 : i32
    %mul3A_75 = arith.constant 256 : i32
    %mul3A_76 = arith.muli %add3A_74, %mul3A_75 : i32
    %dma_start3A_77 = arith.constant 0 : i32
    %dma_start3A_78 = arith.constant 0 : i32
    %dma_start3A_79 = arith.constant 0 : i32
    %dma_start3A_80 = tpu.memref_slice %arg6[%dma_start3A_77, %dma_start3A_78, %dma_start3A_79] : memref<4x256x64xf32, #tpu.memory_space<vmem>> -> memref<1x256x64xf32, #tpu.memory_space<vmem>>
    %dma_start3A_81 = tpu.memref_squeeze %dma_start3A_80 : memref<1x256x64xf32, #tpu.memory_space<vmem>> -> memref<256x64xf32, #tpu.memory_space<vmem>>
    %dma_start3A_82 = arith.constant 0 : i32
    %dma_start3A_83 = tpu.memref_slice %arg4[%mul3A_76, %dma_start3A_82] : memref<425984x64xf32, #tpu.memory_space<hbm>> -> memref<256x64xf32, #tpu.memory_space<hbm>>
    %dma_start3A_84 = arith.constant 0 : i32
    %dma_start3A_85 = tpu.memref_slice %arg4[%mul3A_76, %dma_start3A_84] : memref<425984x64xf32, #tpu.memory_space<hbm>> -> memref<256x64xf32, #tpu.memory_space<hbm>>
    %dma_start3A_86 = arith.constant 0 : i32
    %dma_start3A_87 = arith.constant 0 : i32
    %dma_start3A_88 = tpu.memref_slice %arg6[%dma_start3A_77, %dma_start3A_86, %dma_start3A_87] : memref<4x256x64xf32, #tpu.memory_space<vmem>> -> memref<1x256x64xf32, #tpu.memory_space<vmem>>
    %dma_start3A_89 = tpu.memref_squeeze %dma_start3A_88 : memref<1x256x64xf32, #tpu.memory_space<vmem>> -> memref<256x64xf32, #tpu.memory_space<vmem>>
    tpu.enqueue_dma source(%dma_start3A_89 : memref<256x64xf32, #tpu.memory_space<vmem>>) target(%dma_start3A_85 : memref<256x64xf32, #tpu.memory_space<hbm>>) target_semaphore(%arg11 : memref<!tpu.dma_semaphore, #tpu.memory_space<semaphore_mem>>)
    %add3A_90 = arith.constant 1 : i32
    %add3A_91 = arith.addi %mul3A_2, %add3A_90 : i32
    %mul3A_92 = arith.constant 256 : i32
    %mul3A_93 = arith.muli %add3A_91, %mul3A_92 : i32
    %dma_start3A_94 = arith.constant 1 : i32
    %dma_start3A_95 = arith.constant 0 : i32
    %dma_start3A_96 = arith.constant 0 : i32
    %dma_start3A_97 = tpu.memref_slice %arg6[%dma_start3A_94, %dma_start3A_95, %dma_start3A_96] : memref<4x256x64xf32, #tpu.memory_space<vmem>> -> memref<1x256x64xf32, #tpu.memory_space<vmem>>
    %dma_start3A_98 = tpu.memref_squeeze %dma_start3A_97 : memref<1x256x64xf32, #tpu.memory_space<vmem>> -> memref<256x64xf32, #tpu.memory_space<vmem>>
    %dma_start3A_99 = arith.constant 0 : i32
    %dma_start3A_100 = tpu.memref_slice %arg4[%mul3A_93, %dma_start3A_99] : memref<425984x64xf32, #tpu.memory_space<hbm>> -> memref<256x64xf32, #tpu.memory_space<hbm>>
    %dma_start3A_101 = arith.constant 0 : i32
    %dma_start3A_102 = tpu.memref_slice %arg4[%mul3A_93, %dma_start3A_101] : memref<425984x64xf32, #tpu.memory_space<hbm>> -> memref<256x64xf32, #tpu.memory_space<hbm>>
    %dma_start3A_103 = arith.constant 0 : i32
    %dma_start3A_104 = arith.constant 0 : i32
    %dma_start3A_105 = tpu.memref_slice %arg6[%dma_start3A_94, %dma_start3A_103, %dma_start3A_104] : memref<4x256x64xf32, #tpu.memory_space<vmem>> -> memref<1x256x64xf32, #tpu.memory_space<vmem>>
    %dma_start3A_106 = tpu.memref_squeeze %dma_start3A_105 : memref<1x256x64xf32, #tpu.memory_space<vmem>> -> memref<256x64xf32, #tpu.memory_space<vmem>>
    tpu.enqueue_dma source(%dma_start3A_106 : memref<256x64xf32, #tpu.memory_space<vmem>>) target(%dma_start3A_102 : memref<256x64xf32, #tpu.memory_space<hbm>>) target_semaphore(%arg12 : memref<!tpu.dma_semaphore, #tpu.memory_space<semaphore_mem>>)
    %scan3A = arith.constant 0 : i32
    %scan3A_107 = arith.constant 0 : i32
    %scan3A_108 = arith.constant 11 : i32
    %scan3A_109 = arith.addi %scan3A_107, %scan3A_108 : i32
    %scan3A_110 = arith.constant 1 : i32
    scf.for %scan3A_470 = %scan3A_107 to %scan3A_109 step %scan3A_110  : i32 {
      %mul3A_471 = arith.constant 2 : i32
      %mul3A_472 = arith.muli %mul3A_471, %scan3A_470 : i32
      %add3A_473 = arith.constant 1 : i32
      %add3A_474 = arith.addi %mul3A_472, %add3A_473 : i32
      %mul3A_475 = arith.constant 2 : i32
      %mul3A_476 = arith.muli %add3A_474, %mul3A_475 : i32
      %add3A_477 = arith.constant 0 : i32
      %add3A_478 = arith.addi %mul3A_476, %add3A_477 : i32
      %dma_wait3A_479 = arith.constant 2 : i32
      %dma_wait3A_480 = arith.constant 0 : i32
      %dma_wait3A_481 = arith.constant 0 : i32
      %dma_wait3A_482 = tpu.memref_slice %arg6[%dma_wait3A_479, %dma_wait3A_480, %dma_wait3A_481] : memref<4x256x64xf32, #tpu.memory_space<vmem>> -> memref<1x256x64xf32, #tpu.memory_space<vmem>>
      %dma_wait3A_483 = tpu.memref_squeeze %dma_wait3A_482 : memref<1x256x64xf32, #tpu.memory_space<vmem>> -> memref<256x64xf32, #tpu.memory_space<vmem>>
      %dma_wait3A_484 = arith.constant 0 : i32
      %dma_wait3A_485 = tpu.memref_slice %arg5[%add3A_478, %dma_wait3A_484] : memref<52x256xi32, #tpu.memory_space<vmem>> -> memref<1x256xi32, #tpu.memory_space<vmem>>
      %dma_wait3A_486 = tpu.memref_squeeze %dma_wait3A_485 : memref<1x256xi32, #tpu.memory_space<vmem>> -> memref<256xi32, #tpu.memory_space<vmem>>
      %dma_wait3A_487 = arith.constant 0 : i32
      %dma_wait3A_488 = arith.constant 0 : i32
      %dma_wait3A_489 = tpu.memref_slice %arg3[%dma_wait3A_487, %dma_wait3A_488] : memref<1000000x64xf32, #tpu.memory_space<hbm>> -> memref<1000000x64xf32, #tpu.memory_space<hbm>>
      tpu.wait_indirect_dma semaphore(%arg9 : memref<!tpu.dma_semaphore, #tpu.memory_space<semaphore_mem>>) src(%dma_wait3A_489 : memref<1000000x64xf32, #tpu.memory_space<hbm>>) dst(%dma_wait3A_483 : memref<256x64xf32, #tpu.memory_space<vmem>>)
      %mul3A_490 = arith.constant 2 : i32
      %mul3A_491 = arith.muli %add3A_474, %mul3A_490 : i32
      %add3A_492 = arith.constant 1 : i32
      %add3A_493 = arith.addi %mul3A_491, %add3A_492 : i32
      %dma_wait3A_494 = arith.constant 3 : i32
      %dma_wait3A_495 = arith.constant 0 : i32
      %dma_wait3A_496 = arith.constant 0 : i32
      %dma_wait3A_497 = tpu.memref_slice %arg6[%dma_wait3A_494, %dma_wait3A_495, %dma_wait3A_496] : memref<4x256x64xf32, #tpu.memory_space<vmem>> -> memref<1x256x64xf32, #tpu.memory_space<vmem>>
      %dma_wait3A_498 = tpu.memref_squeeze %dma_wait3A_497 : memref<1x256x64xf32, #tpu.memory_space<vmem>> -> memref<256x64xf32, #tpu.memory_space<vmem>>
      %dma_wait3A_499 = arith.constant 0 : i32
      %dma_wait3A_500 = tpu.memref_slice %arg5[%add3A_493, %dma_wait3A_499] : memref<52x256xi32, #tpu.memory_space<vmem>> -> memref<1x256xi32, #tpu.memory_space<vmem>>
      %dma_wait3A_501 = tpu.memref_squeeze %dma_wait3A_500 : memref<1x256xi32, #tpu.memory_space<vmem>> -> memref<256xi32, #tpu.memory_space<vmem>>
      %dma_wait3A_502 = arith.constant 0 : i32
      %dma_wait3A_503 = arith.constant 0 : i32
      %dma_wait3A_504 = tpu.memref_slice %arg3[%dma_wait3A_502, %dma_wait3A_503] : memref<1000000x64xf32, #tpu.memory_space<hbm>> -> memref<1000000x64xf32, #tpu.memory_space<hbm>>
      tpu.wait_indirect_dma semaphore(%arg10 : memref<!tpu.dma_semaphore, #tpu.memory_space<semaphore_mem>>) src(%dma_wait3A_504 : memref<1000000x64xf32, #tpu.memory_space<hbm>>) dst(%dma_wait3A_498 : memref<256x64xf32, #tpu.memory_space<vmem>>)
      %mul3A_505 = arith.constant 2 : i32
      %mul3A_506 = arith.muli %add3A_474, %mul3A_505 : i32
      %add3A_507 = arith.constant 0 : i32
      %add3A_508 = arith.addi %mul3A_506, %add3A_507 : i32
      %add3A_509 = arith.addi %mul3A_2, %add3A_508 : i32
      %mul3A_510 = arith.constant 256 : i32
      %mul3A_511 = arith.muli %add3A_509, %mul3A_510 : i32
      %dma_start3A_512 = arith.constant 2 : i32
      %dma_start3A_513 = arith.constant 0 : i32
      %dma_start3A_514 = arith.constant 0 : i32
      %dma_start3A_515 = tpu.memref_slice %arg6[%dma_start3A_512, %dma_start3A_513, %dma_start3A_514] : memref<4x256x64xf32, #tpu.memory_space<vmem>> -> memref<1x256x64xf32, #tpu.memory_space<vmem>>
      %dma_start3A_516 = tpu.memref_squeeze %dma_start3A_515 : memref<1x256x64xf32, #tpu.memory_space<vmem>> -> memref<256x64xf32, #tpu.memory_space<vmem>>
      %dma_start3A_517 = arith.constant 0 : i32
      %dma_start3A_518 = tpu.memref_slice %arg4[%mul3A_511, %dma_start3A_517] : memref<425984x64xf32, #tpu.memory_space<hbm>> -> memref<256x64xf32, #tpu.memory_space<hbm>>
      %dma_start3A_519 = arith.constant 0 : i32
      %dma_start3A_520 = tpu.memref_slice %arg4[%mul3A_511, %dma_start3A_519] : memref<425984x64xf32, #tpu.memory_space<hbm>> -> memref<256x64xf32, #tpu.memory_space<hbm>>
      %dma_start3A_521 = arith.constant 0 : i32
      %dma_start3A_522 = arith.constant 0 : i32
      %dma_start3A_523 = tpu.memref_slice %arg6[%dma_start3A_512, %dma_start3A_521, %dma_start3A_522] : memref<4x256x64xf32, #tpu.memory_space<vmem>> -> memref<1x256x64xf32, #tpu.memory_space<vmem>>
      %dma_start3A_524 = tpu.memref_squeeze %dma_start3A_523 : memref<1x256x64xf32, #tpu.memory_space<vmem>> -> memref<256x64xf32, #tpu.memory_space<vmem>>
      tpu.enqueue_dma source(%dma_start3A_524 : memref<256x64xf32, #tpu.memory_space<vmem>>) target(%dma_start3A_520 : memref<256x64xf32, #tpu.memory_space<hbm>>) target_semaphore(%arg13 : memref<!tpu.dma_semaphore, #tpu.memory_space<semaphore_mem>>)
      %mul3A_525 = arith.constant 2 : i32
      %mul3A_526 = arith.muli %add3A_474, %mul3A_525 : i32
      %add3A_527 = arith.constant 1 : i32
      %add3A_528 = arith.addi %mul3A_526, %add3A_527 : i32
      %add3A_529 = arith.addi %mul3A_2, %add3A_528 : i32
      %mul3A_530 = arith.constant 256 : i32
      %mul3A_531 = arith.muli %add3A_529, %mul3A_530 : i32
      %dma_start3A_532 = arith.constant 3 : i32
      %dma_start3A_533 = arith.constant 0 : i32
      %dma_start3A_534 = arith.constant 0 : i32
      %dma_start3A_535 = tpu.memref_slice %arg6[%dma_start3A_532, %dma_start3A_533, %dma_start3A_534] : memref<4x256x64xf32, #tpu.memory_space<vmem>> -> memref<1x256x64xf32, #tpu.memory_space<vmem>>
      %dma_start3A_536 = tpu.memref_squeeze %dma_start3A_535 : memref<1x256x64xf32, #tpu.memory_space<vmem>> -> memref<256x64xf32, #tpu.memory_space<vmem>>
      %dma_start3A_537 = arith.constant 0 : i32
      %dma_start3A_538 = tpu.memref_slice %arg4[%mul3A_531, %dma_start3A_537] : memref<425984x64xf32, #tpu.memory_space<hbm>> -> memref<256x64xf32, #tpu.memory_space<hbm>>
      %dma_start3A_539 = arith.constant 0 : i32
      %dma_start3A_540 = tpu.memref_slice %arg4[%mul3A_531, %dma_start3A_539] : memref<425984x64xf32, #tpu.memory_space<hbm>> -> memref<256x64xf32, #tpu.memory_space<hbm>>
      %dma_start3A_541 = arith.constant 0 : i32
      %dma_start3A_542 = arith.constant 0 : i32
      %dma_start3A_543 = tpu.memref_slice %arg6[%dma_start3A_532, %dma_start3A_541, %dma_start3A_542] : memref<4x256x64xf32, #tpu.memory_space<vmem>> -> memref<1x256x64xf32, #tpu.memory_space<vmem>>
      %dma_start3A_544 = tpu.memref_squeeze %dma_start3A_543 : memref<1x256x64xf32, #tpu.memory_space<vmem>> -> memref<256x64xf32, #tpu.memory_space<vmem>>
      tpu.enqueue_dma source(%dma_start3A_544 : memref<256x64xf32, #tpu.memory_space<vmem>>) target(%dma_start3A_540 : memref<256x64xf32, #tpu.memory_space<hbm>>) target_semaphore(%arg14 : memref<!tpu.dma_semaphore, #tpu.memory_space<semaphore_mem>>)
      %sub3A = arith.constant 1 : i32
      %sub3A_545 = arith.subi %add3A_474, %sub3A : i32
      %mul3A_546 = arith.constant 2 : i32
      %mul3A_547 = arith.muli %sub3A_545, %mul3A_546 : i32
      %add3A_548 = arith.constant 0 : i32
      %add3A_549 = arith.addi %mul3A_547, %add3A_548 : i32
      %add3A_550 = arith.addi %mul3A_2, %add3A_549 : i32
      %mul3A_551 = arith.constant 256 : i32
      %mul3A_552 = arith.muli %add3A_550, %mul3A_551 : i32
      %dma_wait3A_553 = arith.constant 0 : i32
      %dma_wait3A_554 = arith.constant 0 : i32
      %dma_wait3A_555 = arith.constant 0 : i32
      %dma_wait3A_556 = tpu.memref_slice %arg6[%dma_wait3A_553, %dma_wait3A_554, %dma_wait3A_555] : memref<4x256x64xf32, #tpu.memory_space<vmem>> -> memref<1x256x64xf32, #tpu.memory_space<vmem>>
      %dma_wait3A_557 = tpu.memref_squeeze %dma_wait3A_556 : memref<1x256x64xf32, #tpu.memory_space<vmem>> -> memref<256x64xf32, #tpu.memory_space<vmem>>
      %dma_wait3A_558 = arith.constant 0 : i32
      %dma_wait3A_559 = tpu.memref_slice %arg4[%mul3A_552, %dma_wait3A_558] : memref<425984x64xf32, #tpu.memory_space<hbm>> -> memref<256x64xf32, #tpu.memory_space<hbm>>
      %dma_wait3A_560 = arith.constant 0 : i32
      %dma_wait3A_561 = tpu.memref_slice %arg4[%mul3A_552, %dma_wait3A_560] : memref<425984x64xf32, #tpu.memory_space<hbm>> -> memref<256x64xf32, #tpu.memory_space<hbm>>
      %dma_wait3A_562 = arith.constant 0 : i32
      %dma_wait3A_563 = arith.constant 0 : i32
      %dma_wait3A_564 = tpu.memref_slice %arg6[%dma_wait3A_553, %dma_wait3A_562, %dma_wait3A_563] : memref<4x256x64xf32, #tpu.memory_space<vmem>> -> memref<1x256x64xf32, #tpu.memory_space<vmem>>
      %dma_wait3A_565 = tpu.memref_squeeze %dma_wait3A_564 : memref<1x256x64xf32, #tpu.memory_space<vmem>> -> memref<256x64xf32, #tpu.memory_space<vmem>>
      tpu.wait_dma2 semaphore(%arg11 : memref<!tpu.dma_semaphore, #tpu.memory_space<semaphore_mem>>) src(%dma_wait3A_565 : memref<256x64xf32, #tpu.memory_space<vmem>>) dst(%dma_wait3A_561 : memref<256x64xf32, #tpu.memory_space<hbm>>)
      %sub3A_566 = arith.constant 1 : i32
      %sub3A_567 = arith.subi %add3A_474, %sub3A_566 : i32
      %mul3A_568 = arith.constant 2 : i32
      %mul3A_569 = arith.muli %sub3A_567, %mul3A_568 : i32
      %add3A_570 = arith.constant 1 : i32
      %add3A_571 = arith.addi %mul3A_569, %add3A_570 : i32
      %add3A_572 = arith.addi %mul3A_2, %add3A_571 : i32
      %mul3A_573 = arith.constant 256 : i32
      %mul3A_574 = arith.muli %add3A_572, %mul3A_573 : i32
      %dma_wait3A_575 = arith.constant 1 : i32
      %dma_wait3A_576 = arith.constant 0 : i32
      %dma_wait3A_577 = arith.constant 0 : i32
      %dma_wait3A_578 = tpu.memref_slice %arg6[%dma_wait3A_575, %dma_wait3A_576, %dma_wait3A_577] : memref<4x256x64xf32, #tpu.memory_space<vmem>> -> memref<1x256x64xf32, #tpu.memory_space<vmem>>
      %dma_wait3A_579 = tpu.memref_squeeze %dma_wait3A_578 : memref<1x256x64xf32, #tpu.memory_space<vmem>> -> memref<256x64xf32, #tpu.memory_space<vmem>>
      %dma_wait3A_580 = arith.constant 0 : i32
      %dma_wait3A_581 = tpu.memref_slice %arg4[%mul3A_574, %dma_wait3A_580] : memref<425984x64xf32, #tpu.memory_space<hbm>> -> memref<256x64xf32, #tpu.memory_space<hbm>>
      %dma_wait3A_582 = arith.constant 0 : i32
      %dma_wait3A_583 = tpu.memref_slice %arg4[%mul3A_574, %dma_wait3A_582] : memref<425984x64xf32, #tpu.memory_space<hbm>> -> memref<256x64xf32, #tpu.memory_space<hbm>>
      %dma_wait3A_584 = arith.constant 0 : i32
      %dma_wait3A_585 = arith.constant 0 : i32
      %dma_wait3A_586 = tpu.memref_slice %arg6[%dma_wait3A_575, %dma_wait3A_584, %dma_wait3A_585] : memref<4x256x64xf32, #tpu.memory_space<vmem>> -> memref<1x256x64xf32, #tpu.memory_space<vmem>>
      %dma_wait3A_587 = tpu.memref_squeeze %dma_wait3A_586 : memref<1x256x64xf32, #tpu.memory_space<vmem>> -> memref<256x64xf32, #tpu.memory_space<vmem>>
      tpu.wait_dma2 semaphore(%arg12 : memref<!tpu.dma_semaphore, #tpu.memory_space<semaphore_mem>>) src(%dma_wait3A_587 : memref<256x64xf32, #tpu.memory_space<vmem>>) dst(%dma_wait3A_583 : memref<256x64xf32, #tpu.memory_space<hbm>>)
      %add3A_588 = arith.constant 1 : i32
      %add3A_589 = arith.addi %add3A_474, %add3A_588 : i32
      %mul3A_590 = arith.constant 2 : i32
      %mul3A_591 = arith.muli %add3A_589, %mul3A_590 : i32
      %add3A_592 = arith.constant 0 : i32
      %add3A_593 = arith.addi %mul3A_591, %add3A_592 : i32
      %dma_start3A_594 = arith.constant 0 : i32
      %dma_start3A_595 = arith.constant 0 : i32
      %dma_start3A_596 = arith.constant 0 : i32
      %dma_start3A_597 = tpu.memref_slice %arg6[%dma_start3A_594, %dma_start3A_595, %dma_start3A_596] : memref<4x256x64xf32, #tpu.memory_space<vmem>> -> memref<1x256x64xf32, #tpu.memory_space<vmem>>
      %dma_start3A_598 = tpu.memref_squeeze %dma_start3A_597 : memref<1x256x64xf32, #tpu.memory_space<vmem>> -> memref<256x64xf32, #tpu.memory_space<vmem>>
      %dma_start3A_599 = arith.constant 0 : i32
      %dma_start3A_600 = tpu.memref_slice %arg5[%add3A_593, %dma_start3A_599] : memref<52x256xi32, #tpu.memory_space<vmem>> -> memref<1x256xi32, #tpu.memory_space<vmem>>
      %dma_start3A_601 = tpu.memref_squeeze %dma_start3A_600 : memref<1x256xi32, #tpu.memory_space<vmem>> -> memref<256xi32, #tpu.memory_space<vmem>>
      %dma_start3A_602 = arith.constant 0 : i32
      %dma_start3A_603 = arith.constant 0 : i32
      %dma_start3A_604 = tpu.memref_slice %arg3[%dma_start3A_602, %dma_start3A_603] : memref<1000000x64xf32, #tpu.memory_space<hbm>> -> memref<1000000x64xf32, #tpu.memory_space<hbm>>
      tpu.enqueue_indirect_dma source(%dma_start3A_604 : memref<1000000x64xf32, #tpu.memory_space<hbm>>) target(%dma_start3A_598 : memref<256x64xf32, #tpu.memory_space<vmem>>) offsets(%dma_start3A_601 : memref<256xi32, #tpu.memory_space<vmem>>) semaphore(%arg7 : memref<!tpu.dma_semaphore, #tpu.memory_space<semaphore_mem>>)
      %add3A_605 = arith.constant 1 : i32
      %add3A_606 = arith.addi %add3A_474, %add3A_605 : i32
      %mul3A_607 = arith.constant 2 : i32
      %mul3A_608 = arith.muli %add3A_606, %mul3A_607 : i32
      %add3A_609 = arith.constant 1 : i32
      %add3A_610 = arith.addi %mul3A_608, %add3A_609 : i32
      %dma_start3A_611 = arith.constant 1 : i32
      %dma_start3A_612 = arith.constant 0 : i32
      %dma_start3A_613 = arith.constant 0 : i32
      %dma_start3A_614 = tpu.memref_slice %arg6[%dma_start3A_611, %dma_start3A_612, %dma_start3A_613] : memref<4x256x64xf32, #tpu.memory_space<vmem>> -> memref<1x256x64xf32, #tpu.memory_space<vmem>>
      %dma_start3A_615 = tpu.memref_squeeze %dma_start3A_614 : memref<1x256x64xf32, #tpu.memory_space<vmem>> -> memref<256x64xf32, #tpu.memory_space<vmem>>
      %dma_start3A_616 = arith.constant 0 : i32
      %dma_start3A_617 = tpu.memref_slice %arg5[%add3A_610, %dma_start3A_616] : memref<52x256xi32, #tpu.memory_space<vmem>> -> memref<1x256xi32, #tpu.memory_space<vmem>>
      %dma_start3A_618 = tpu.memref_squeeze %dma_start3A_617 : memref<1x256xi32, #tpu.memory_space<vmem>> -> memref<256xi32, #tpu.memory_space<vmem>>
      %dma_start3A_619 = arith.constant 0 : i32
      %dma_start3A_620 = arith.constant 0 : i32
      %dma_start3A_621 = tpu.memref_slice %arg3[%dma_start3A_619, %dma_start3A_620] : memref<1000000x64xf32, #tpu.memory_space<hbm>> -> memref<1000000x64xf32, #tpu.memory_space<hbm>>
      tpu.enqueue_indirect_dma source(%dma_start3A_621 : memref<1000000x64xf32, #tpu.memory_space<hbm>>) target(%dma_start3A_615 : memref<256x64xf32, #tpu.memory_space<vmem>>) offsets(%dma_start3A_618 : memref<256xi32, #tpu.memory_space<vmem>>) semaphore(%arg8 : memref<!tpu.dma_semaphore, #tpu.memory_space<semaphore_mem>>)
      %add3A_622 = arith.constant 1 : i32
      %add3A_623 = arith.addi %add3A_474, %add3A_622 : i32
      %mul3A_624 = arith.constant 2 : i32
      %mul3A_625 = arith.muli %add3A_623, %mul3A_624 : i32
      %add3A_626 = arith.constant 0 : i32
      %add3A_627 = arith.addi %mul3A_625, %add3A_626 : i32
      %dma_wait3A_628 = arith.constant 0 : i32
      %dma_wait3A_629 = arith.constant 0 : i32
      %dma_wait3A_630 = arith.constant 0 : i32
      %dma_wait3A_631 = tpu.memref_slice %arg6[%dma_wait3A_628, %dma_wait3A_629, %dma_wait3A_630] : memref<4x256x64xf32, #tpu.memory_space<vmem>> -> memref<1x256x64xf32, #tpu.memory_space<vmem>>
      %dma_wait3A_632 = tpu.memref_squeeze %dma_wait3A_631 : memref<1x256x64xf32, #tpu.memory_space<vmem>> -> memref<256x64xf32, #tpu.memory_space<vmem>>
      %dma_wait3A_633 = arith.constant 0 : i32
      %dma_wait3A_634 = tpu.memref_slice %arg5[%add3A_627, %dma_wait3A_633] : memref<52x256xi32, #tpu.memory_space<vmem>> -> memref<1x256xi32, #tpu.memory_space<vmem>>
      %dma_wait3A_635 = tpu.memref_squeeze %dma_wait3A_634 : memref<1x256xi32, #tpu.memory_space<vmem>> -> memref<256xi32, #tpu.memory_space<vmem>>
      %dma_wait3A_636 = arith.constant 0 : i32
      %dma_wait3A_637 = arith.constant 0 : i32
      %dma_wait3A_638 = tpu.memref_slice %arg3[%dma_wait3A_636, %dma_wait3A_637] : memref<1000000x64xf32, #tpu.memory_space<hbm>> -> memref<1000000x64xf32, #tpu.memory_space<hbm>>
      tpu.wait_indirect_dma semaphore(%arg7 : memref<!tpu.dma_semaphore, #tpu.memory_space<semaphore_mem>>) src(%dma_wait3A_638 : memref<1000000x64xf32, #tpu.memory_space<hbm>>) dst(%dma_wait3A_632 : memref<256x64xf32, #tpu.memory_space<vmem>>)
      %mul3A_639 = arith.constant 2 : i32
      %mul3A_640 = arith.muli %add3A_623, %mul3A_639 : i32
      %add3A_641 = arith.constant 1 : i32
      %add3A_642 = arith.addi %mul3A_640, %add3A_641 : i32
      %dma_wait3A_643 = arith.constant 1 : i32
      %dma_wait3A_644 = arith.constant 0 : i32
      %dma_wait3A_645 = arith.constant 0 : i32
      %dma_wait3A_646 = tpu.memref_slice %arg6[%dma_wait3A_643, %dma_wait3A_644, %dma_wait3A_645] : memref<4x256x64xf32, #tpu.memory_space<vmem>> -> memref<1x256x64xf32, #tpu.memory_space<vmem>>
      %dma_wait3A_647 = tpu.memref_squeeze %dma_wait3A_646 : memref<1x256x64xf32, #tpu.memory_space<vmem>> -> memref<256x64xf32, #tpu.memory_space<vmem>>
      %dma_wait3A_648 = arith.constant 0 : i32
      %dma_wait3A_649 = tpu.memref_slice %arg5[%add3A_642, %dma_wait3A_648] : memref<52x256xi32, #tpu.memory_space<vmem>> -> memref<1x256xi32, #tpu.memory_space<vmem>>
      %dma_wait3A_650 = tpu.memref_squeeze %dma_wait3A_649 : memref<1x256xi32, #tpu.memory_space<vmem>> -> memref<256xi32, #tpu.memory_space<vmem>>
      %dma_wait3A_651 = arith.constant 0 : i32
      %dma_wait3A_652 = arith.constant 0 : i32
      %dma_wait3A_653 = tpu.memref_slice %arg3[%dma_wait3A_651, %dma_wait3A_652] : memref<1000000x64xf32, #tpu.memory_space<hbm>> -> memref<1000000x64xf32, #tpu.memory_space<hbm>>
      tpu.wait_indirect_dma semaphore(%arg8 : memref<!tpu.dma_semaphore, #tpu.memory_space<semaphore_mem>>) src(%dma_wait3A_653 : memref<1000000x64xf32, #tpu.memory_space<hbm>>) dst(%dma_wait3A_647 : memref<256x64xf32, #tpu.memory_space<vmem>>)
      %mul3A_654 = arith.constant 2 : i32
      %mul3A_655 = arith.muli %add3A_623, %mul3A_654 : i32
      %add3A_656 = arith.constant 0 : i32
      %add3A_657 = arith.addi %mul3A_655, %add3A_656 : i32
      %add3A_658 = arith.addi %mul3A_2, %add3A_657 : i32
      %mul3A_659 = arith.constant 256 : i32
      %mul3A_660 = arith.muli %add3A_658, %mul3A_659 : i32
      %dma_start3A_661 = arith.constant 0 : i32
      %dma_start3A_662 = arith.constant 0 : i32
      %dma_start3A_663 = arith.constant 0 : i32
      %dma_start3A_664 = tpu.memref_slice %arg6[%dma_start3A_661, %dma_start3A_662, %dma_start3A_663] : memref<4x256x64xf32, #tpu.memory_space<vmem>> -> memref<1x256x64xf32, #tpu.memory_space<vmem>>
      %dma_start3A_665 = tpu.memref_squeeze %dma_start3A_664 : memref<1x256x64xf32, #tpu.memory_space<vmem>> -> memref<256x64xf32, #tpu.memory_space<vmem>>
      %dma_start3A_666 = arith.constant 0 : i32
      %dma_start3A_667 = tpu.memref_slice %arg4[%mul3A_660, %dma_start3A_666] : memref<425984x64xf32, #tpu.memory_space<hbm>> -> memref<256x64xf32, #tpu.memory_space<hbm>>
      %dma_start3A_668 = arith.constant 0 : i32
      %dma_start3A_669 = tpu.memref_slice %arg4[%mul3A_660, %dma_start3A_668] : memref<425984x64xf32, #tpu.memory_space<hbm>> -> memref<256x64xf32, #tpu.memory_space<hbm>>
      %dma_start3A_670 = arith.constant 0 : i32
      %dma_start3A_671 = arith.constant 0 : i32
      %dma_start3A_672 = tpu.memref_slice %arg6[%dma_start3A_661, %dma_start3A_670, %dma_start3A_671] : memref<4x256x64xf32, #tpu.memory_space<vmem>> -> memref<1x256x64xf32, #tpu.memory_space<vmem>>
      %dma_start3A_673 = tpu.memref_squeeze %dma_start3A_672 : memref<1x256x64xf32, #tpu.memory_space<vmem>> -> memref<256x64xf32, #tpu.memory_space<vmem>>
      tpu.enqueue_dma source(%dma_start3A_673 : memref<256x64xf32, #tpu.memory_space<vmem>>) target(%dma_start3A_669 : memref<256x64xf32, #tpu.memory_space<hbm>>) target_semaphore(%arg11 : memref<!tpu.dma_semaphore, #tpu.memory_space<semaphore_mem>>)
      %mul3A_674 = arith.constant 2 : i32
      %mul3A_675 = arith.muli %add3A_623, %mul3A_674 : i32
      %add3A_676 = arith.constant 1 : i32
      %add3A_677 = arith.addi %mul3A_675, %add3A_676 : i32
      %add3A_678 = arith.addi %mul3A_2, %add3A_677 : i32
      %mul3A_679 = arith.constant 256 : i32
      %mul3A_680 = arith.muli %add3A_678, %mul3A_679 : i32
      %dma_start3A_681 = arith.constant 1 : i32
      %dma_start3A_682 = arith.constant 0 : i32
      %dma_start3A_683 = arith.constant 0 : i32
      %dma_start3A_684 = tpu.memref_slice %arg6[%dma_start3A_681, %dma_start3A_682, %dma_start3A_683] : memref<4x256x64xf32, #tpu.memory_space<vmem>> -> memref<1x256x64xf32, #tpu.memory_space<vmem>>
      %dma_start3A_685 = tpu.memref_squeeze %dma_start3A_684 : memref<1x256x64xf32, #tpu.memory_space<vmem>> -> memref<256x64xf32, #tpu.memory_space<vmem>>
      %dma_start3A_686 = arith.constant 0 : i32
      %dma_start3A_687 = tpu.memref_slice %arg4[%mul3A_680, %dma_start3A_686] : memref<425984x64xf32, #tpu.memory_space<hbm>> -> memref<256x64xf32, #tpu.memory_space<hbm>>
      %dma_start3A_688 = arith.constant 0 : i32
      %dma_start3A_689 = tpu.memref_slice %arg4[%mul3A_680, %dma_start3A_688] : memref<425984x64xf32, #tpu.memory_space<hbm>> -> memref<256x64xf32, #tpu.memory_space<hbm>>
      %dma_start3A_690 = arith.constant 0 : i32
      %dma_start3A_691 = arith.constant 0 : i32
      %dma_start3A_692 = tpu.memref_slice %arg6[%dma_start3A_681, %dma_start3A_690, %dma_start3A_691] : memref<4x256x64xf32, #tpu.memory_space<vmem>> -> memref<1x256x64xf32, #tpu.memory_space<vmem>>
      %dma_start3A_693 = tpu.memref_squeeze %dma_start3A_692 : memref<1x256x64xf32, #tpu.memory_space<vmem>> -> memref<256x64xf32, #tpu.memory_space<vmem>>
      tpu.enqueue_dma source(%dma_start3A_693 : memref<256x64xf32, #tpu.memory_space<vmem>>) target(%dma_start3A_689 : memref<256x64xf32, #tpu.memory_space<hbm>>) target_semaphore(%arg12 : memref<!tpu.dma_semaphore, #tpu.memory_space<semaphore_mem>>)
      %add3A_694 = arith.constant 1 : i32
      %add3A_695 = arith.addi %add3A_474, %add3A_694 : i32
      %sub3A_696 = arith.constant 1 : i32
      %sub3A_697 = arith.subi %add3A_695, %sub3A_696 : i32
      %mul3A_698 = arith.constant 2 : i32
      %mul3A_699 = arith.muli %sub3A_697, %mul3A_698 : i32
      %add3A_700 = arith.constant 0 : i32
      %add3A_701 = arith.addi %mul3A_699, %add3A_700 : i32
      %add3A_702 = arith.addi %mul3A_2, %add3A_701 : i32
      %mul3A_703 = arith.constant 256 : i32
      %mul3A_704 = arith.muli %add3A_702, %mul3A_703 : i32
      %dma_wait3A_705 = arith.constant 2 : i32
      %dma_wait3A_706 = arith.constant 0 : i32
      %dma_wait3A_707 = arith.constant 0 : i32
      %dma_wait3A_708 = tpu.memref_slice %arg6[%dma_wait3A_705, %dma_wait3A_706, %dma_wait3A_707] : memref<4x256x64xf32, #tpu.memory_space<vmem>> -> memref<1x256x64xf32, #tpu.memory_space<vmem>>
      %dma_wait3A_709 = tpu.memref_squeeze %dma_wait3A_708 : memref<1x256x64xf32, #tpu.memory_space<vmem>> -> memref<256x64xf32, #tpu.memory_space<vmem>>
      %dma_wait3A_710 = arith.constant 0 : i32
      %dma_wait3A_711 = tpu.memref_slice %arg4[%mul3A_704, %dma_wait3A_710] : memref<425984x64xf32, #tpu.memory_space<hbm>> -> memref<256x64xf32, #tpu.memory_space<hbm>>
      %dma_wait3A_712 = arith.constant 0 : i32
      %dma_wait3A_713 = tpu.memref_slice %arg4[%mul3A_704, %dma_wait3A_712] : memref<425984x64xf32, #tpu.memory_space<hbm>> -> memref<256x64xf32, #tpu.memory_space<hbm>>
      %dma_wait3A_714 = arith.constant 0 : i32
      %dma_wait3A_715 = arith.constant 0 : i32
      %dma_wait3A_716 = tpu.memref_slice %arg6[%dma_wait3A_705, %dma_wait3A_714, %dma_wait3A_715] : memref<4x256x64xf32, #tpu.memory_space<vmem>> -> memref<1x256x64xf32, #tpu.memory_space<vmem>>
      %dma_wait3A_717 = tpu.memref_squeeze %dma_wait3A_716 : memref<1x256x64xf32, #tpu.memory_space<vmem>> -> memref<256x64xf32, #tpu.memory_space<vmem>>
      tpu.wait_dma2 semaphore(%arg13 : memref<!tpu.dma_semaphore, #tpu.memory_space<semaphore_mem>>) src(%dma_wait3A_717 : memref<256x64xf32, #tpu.memory_space<vmem>>) dst(%dma_wait3A_713 : memref<256x64xf32, #tpu.memory_space<hbm>>)
      %sub3A_718 = arith.constant 1 : i32
      %sub3A_719 = arith.subi %add3A_695, %sub3A_718 : i32
      %mul3A_720 = arith.constant 2 : i32
      %mul3A_721 = arith.muli %sub3A_719, %mul3A_720 : i32
      %add3A_722 = arith.constant 1 : i32
      %add3A_723 = arith.addi %mul3A_721, %add3A_722 : i32
      %add3A_724 = arith.addi %mul3A_2, %add3A_723 : i32
      %mul3A_725 = arith.constant 256 : i32
      %mul3A_726 = arith.muli %add3A_724, %mul3A_725 : i32
      %dma_wait3A_727 = arith.constant 3 : i32
      %dma_wait3A_728 = arith.constant 0 : i32
      %dma_wait3A_729 = arith.constant 0 : i32
      %dma_wait3A_730 = tpu.memref_slice %arg6[%dma_wait3A_727, %dma_wait3A_728, %dma_wait3A_729] : memref<4x256x64xf32, #tpu.memory_space<vmem>> -> memref<1x256x64xf32, #tpu.memory_space<vmem>>
      %dma_wait3A_731 = tpu.memref_squeeze %dma_wait3A_730 : memref<1x256x64xf32, #tpu.memory_space<vmem>> -> memref<256x64xf32, #tpu.memory_space<vmem>>
      %dma_wait3A_732 = arith.constant 0 : i32
      %dma_wait3A_733 = tpu.memref_slice %arg4[%mul3A_726, %dma_wait3A_732] : memref<425984x64xf32, #tpu.memory_space<hbm>> -> memref<256x64xf32, #tpu.memory_space<hbm>>
      %dma_wait3A_734 = arith.constant 0 : i32
      %dma_wait3A_735 = tpu.memref_slice %arg4[%mul3A_726, %dma_wait3A_734] : memref<425984x64xf32, #tpu.memory_space<hbm>> -> memref<256x64xf32, #tpu.memory_space<hbm>>
      %dma_wait3A_736 = arith.constant 0 : i32
      %dma_wait3A_737 = arith.constant 0 : i32
      %dma_wait3A_738 = tpu.memref_slice %arg6[%dma_wait3A_727, %dma_wait3A_736, %dma_wait3A_737] : memref<4x256x64xf32, #tpu.memory_space<vmem>> -> memref<1x256x64xf32, #tpu.memory_space<vmem>>
      %dma_wait3A_739 = tpu.memref_squeeze %dma_wait3A_738 : memref<1x256x64xf32, #tpu.memory_space<vmem>> -> memref<256x64xf32, #tpu.memory_space<vmem>>
      tpu.wait_dma2 semaphore(%arg14 : memref<!tpu.dma_semaphore, #tpu.memory_space<semaphore_mem>>) src(%dma_wait3A_739 : memref<256x64xf32, #tpu.memory_space<vmem>>) dst(%dma_wait3A_735 : memref<256x64xf32, #tpu.memory_space<hbm>>)
      %add3A_740 = arith.constant 1 : i32
      %add3A_741 = arith.addi %add3A_695, %add3A_740 : i32
      %mul3A_742 = arith.constant 2 : i32
      %mul3A_743 = arith.muli %add3A_741, %mul3A_742 : i32
      %add3A_744 = arith.constant 0 : i32
      %add3A_745 = arith.addi %mul3A_743, %add3A_744 : i32
      %dma_start3A_746 = arith.constant 2 : i32
      %dma_start3A_747 = arith.constant 0 : i32
      %dma_start3A_748 = arith.constant 0 : i32
      %dma_start3A_749 = tpu.memref_slice %arg6[%dma_start3A_746, %dma_start3A_747, %dma_start3A_748] : memref<4x256x64xf32, #tpu.memory_space<vmem>> -> memref<1x256x64xf32, #tpu.memory_space<vmem>>
      %dma_start3A_750 = tpu.memref_squeeze %dma_start3A_749 : memref<1x256x64xf32, #tpu.memory_space<vmem>> -> memref<256x64xf32, #tpu.memory_space<vmem>>
      %dma_start3A_751 = arith.constant 0 : i32
      %dma_start3A_752 = tpu.memref_slice %arg5[%add3A_745, %dma_start3A_751] : memref<52x256xi32, #tpu.memory_space<vmem>> -> memref<1x256xi32, #tpu.memory_space<vmem>>
      %dma_start3A_753 = tpu.memref_squeeze %dma_start3A_752 : memref<1x256xi32, #tpu.memory_space<vmem>> -> memref<256xi32, #tpu.memory_space<vmem>>
      %dma_start3A_754 = arith.constant 0 : i32
      %dma_start3A_755 = arith.constant 0 : i32
      %dma_start3A_756 = tpu.memref_slice %arg3[%dma_start3A_754, %dma_start3A_755] : memref<1000000x64xf32, #tpu.memory_space<hbm>> -> memref<1000000x64xf32, #tpu.memory_space<hbm>>
      tpu.enqueue_indirect_dma source(%dma_start3A_756 : memref<1000000x64xf32, #tpu.memory_space<hbm>>) target(%dma_start3A_750 : memref<256x64xf32, #tpu.memory_space<vmem>>) offsets(%dma_start3A_753 : memref<256xi32, #tpu.memory_space<vmem>>) semaphore(%arg9 : memref<!tpu.dma_semaphore, #tpu.memory_space<semaphore_mem>>)
      %add3A_757 = arith.constant 1 : i32
      %add3A_758 = arith.addi %add3A_695, %add3A_757 : i32
      %mul3A_759 = arith.constant 2 : i32
      %mul3A_760 = arith.muli %add3A_758, %mul3A_759 : i32
      %add3A_761 = arith.constant 1 : i32
      %add3A_762 = arith.addi %mul3A_760, %add3A_761 : i32
      %dma_start3A_763 = arith.constant 3 : i32
      %dma_start3A_764 = arith.constant 0 : i32
      %dma_start3A_765 = arith.constant 0 : i32
      %dma_start3A_766 = tpu.memref_slice %arg6[%dma_start3A_763, %dma_start3A_764, %dma_start3A_765] : memref<4x256x64xf32, #tpu.memory_space<vmem>> -> memref<1x256x64xf32, #tpu.memory_space<vmem>>
      %dma_start3A_767 = tpu.memref_squeeze %dma_start3A_766 : memref<1x256x64xf32, #tpu.memory_space<vmem>> -> memref<256x64xf32, #tpu.memory_space<vmem>>
      %dma_start3A_768 = arith.constant 0 : i32
      %dma_start3A_769 = tpu.memref_slice %arg5[%add3A_762, %dma_start3A_768] : memref<52x256xi32, #tpu.memory_space<vmem>> -> memref<1x256xi32, #tpu.memory_space<vmem>>
      %dma_start3A_770 = tpu.memref_squeeze %dma_start3A_769 : memref<1x256xi32, #tpu.memory_space<vmem>> -> memref<256xi32, #tpu.memory_space<vmem>>
      %dma_start3A_771 = arith.constant 0 : i32
      %dma_start3A_772 = arith.constant 0 : i32
      %dma_start3A_773 = tpu.memref_slice %arg3[%dma_start3A_771, %dma_start3A_772] : memref<1000000x64xf32, #tpu.memory_space<hbm>> -> memref<1000000x64xf32, #tpu.memory_space<hbm>>
      tpu.enqueue_indirect_dma source(%dma_start3A_773 : memref<1000000x64xf32, #tpu.memory_space<hbm>>) target(%dma_start3A_767 : memref<256x64xf32, #tpu.memory_space<vmem>>) offsets(%dma_start3A_770 : memref<256xi32, #tpu.memory_space<vmem>>) semaphore(%arg10 : memref<!tpu.dma_semaphore, #tpu.memory_space<semaphore_mem>>)
    }
    %scan3A_111 = arith.constant 11 : i32
    %dma_wait3A_112 = arith.constant 46 : i32
    %dma_wait3A_113 = arith.constant 2 : i32
    %dma_wait3A_114 = arith.constant 0 : i32
    %dma_wait3A_115 = arith.constant 0 : i32
    %dma_wait3A_116 = tpu.memref_slice %arg6[%dma_wait3A_113, %dma_wait3A_114, %dma_wait3A_115] : memref<4x256x64xf32, #tpu.memory_space<vmem>> -> memref<1x256x64xf32, #tpu.memory_space<vmem>>
    %dma_wait3A_117 = tpu.memref_squeeze %dma_wait3A_116 : memref<1x256x64xf32, #tpu.memory_space<vmem>> -> memref<256x64xf32, #tpu.memory_space<vmem>>
    %dma_wait3A_118 = arith.constant 0 : i32
    %dma_wait3A_119 = tpu.memref_slice %arg5[%dma_wait3A_112, %dma_wait3A_118] : memref<52x256xi32, #tpu.memory_space<vmem>> -> memref<1x256xi32, #tpu.memory_space<vmem>>
    %dma_wait3A_120 = tpu.memref_squeeze %dma_wait3A_119 : memref<1x256xi32, #tpu.memory_space<vmem>> -> memref<256xi32, #tpu.memory_space<vmem>>
    %dma_wait3A_121 = arith.constant 0 : i32
    %dma_wait3A_122 = arith.constant 0 : i32
    %dma_wait3A_123 = tpu.memref_slice %arg3[%dma_wait3A_121, %dma_wait3A_122] : memref<1000000x64xf32, #tpu.memory_space<hbm>> -> memref<1000000x64xf32, #tpu.memory_space<hbm>>
    tpu.wait_indirect_dma semaphore(%arg9 : memref<!tpu.dma_semaphore, #tpu.memory_space<semaphore_mem>>) src(%dma_wait3A_123 : memref<1000000x64xf32, #tpu.memory_space<hbm>>) dst(%dma_wait3A_117 : memref<256x64xf32, #tpu.memory_space<vmem>>)
    %dma_wait3A_124 = arith.constant 47 : i32
    %dma_wait3A_125 = arith.constant 3 : i32
    %dma_wait3A_126 = arith.constant 0 : i32
    %dma_wait3A_127 = arith.constant 0 : i32
    %dma_wait3A_128 = tpu.memref_slice %arg6[%dma_wait3A_125, %dma_wait3A_126, %dma_wait3A_127] : memref<4x256x64xf32, #tpu.memory_space<vmem>> -> memref<1x256x64xf32, #tpu.memory_space<vmem>>
    %dma_wait3A_129 = tpu.memref_squeeze %dma_wait3A_128 : memref<1x256x64xf32, #tpu.memory_space<vmem>> -> memref<256x64xf32, #tpu.memory_space<vmem>>
    %dma_wait3A_130 = arith.constant 0 : i32
    %dma_wait3A_131 = tpu.memref_slice %arg5[%dma_wait3A_124, %dma_wait3A_130] : memref<52x256xi32, #tpu.memory_space<vmem>> -> memref<1x256xi32, #tpu.memory_space<vmem>>
    %dma_wait3A_132 = tpu.memref_squeeze %dma_wait3A_131 : memref<1x256xi32, #tpu.memory_space<vmem>> -> memref<256xi32, #tpu.memory_space<vmem>>
    %dma_wait3A_133 = arith.constant 0 : i32
    %dma_wait3A_134 = arith.constant 0 : i32
    %dma_wait3A_135 = tpu.memref_slice %arg3[%dma_wait3A_133, %dma_wait3A_134] : memref<1000000x64xf32, #tpu.memory_space<hbm>> -> memref<1000000x64xf32, #tpu.memory_space<hbm>>
    tpu.wait_indirect_dma semaphore(%arg10 : memref<!tpu.dma_semaphore, #tpu.memory_space<semaphore_mem>>) src(%dma_wait3A_135 : memref<1000000x64xf32, #tpu.memory_space<hbm>>) dst(%dma_wait3A_129 : memref<256x64xf32, #tpu.memory_space<vmem>>)
    %add3A_136 = arith.constant 46 : i32
    %add3A_137 = arith.addi %mul3A_2, %add3A_136 : i32
    %mul3A_138 = arith.constant 256 : i32
    %mul3A_139 = arith.muli %add3A_137, %mul3A_138 : i32
    %dma_start3A_140 = arith.constant 2 : i32
    %dma_start3A_141 = arith.constant 0 : i32
    %dma_start3A_142 = arith.constant 0 : i32
    %dma_start3A_143 = tpu.memref_slice %arg6[%dma_start3A_140, %dma_start3A_141, %dma_start3A_142] : memref<4x256x64xf32, #tpu.memory_space<vmem>> -> memref<1x256x64xf32, #tpu.memory_space<vmem>>
    %dma_start3A_144 = tpu.memref_squeeze %dma_start3A_143 : memref<1x256x64xf32, #tpu.memory_space<vmem>> -> memref<256x64xf32, #tpu.memory_space<vmem>>
    %dma_start3A_145 = arith.constant 0 : i32
    %dma_start3A_146 = tpu.memref_slice %arg4[%mul3A_139, %dma_start3A_145] : memref<425984x64xf32, #tpu.memory_space<hbm>> -> memref<256x64xf32, #tpu.memory_space<hbm>>
    %dma_start3A_147 = arith.constant 0 : i32
    %dma_start3A_148 = tpu.memref_slice %arg4[%mul3A_139, %dma_start3A_147] : memref<425984x64xf32, #tpu.memory_space<hbm>> -> memref<256x64xf32, #tpu.memory_space<hbm>>
    %dma_start3A_149 = arith.constant 0 : i32
    %dma_start3A_150 = arith.constant 0 : i32
    %dma_start3A_151 = tpu.memref_slice %arg6[%dma_start3A_140, %dma_start3A_149, %dma_start3A_150] : memref<4x256x64xf32, #tpu.memory_space<vmem>> -> memref<1x256x64xf32, #tpu.memory_space<vmem>>
    %dma_start3A_152 = tpu.memref_squeeze %dma_start3A_151 : memref<1x256x64xf32, #tpu.memory_space<vmem>> -> memref<256x64xf32, #tpu.memory_space<vmem>>
    tpu.enqueue_dma source(%dma_start3A_152 : memref<256x64xf32, #tpu.memory_space<vmem>>) target(%dma_start3A_148 : memref<256x64xf32, #tpu.memory_space<hbm>>) target_semaphore(%arg13 : memref<!tpu.dma_semaphore, #tpu.memory_space<semaphore_mem>>)
    %add3A_153 = arith.constant 47 : i32
    %add3A_154 = arith.addi %mul3A_2, %add3A_153 : i32
    %mul3A_155 = arith.constant 256 : i32
    %mul3A_156 = arith.muli %add3A_154, %mul3A_155 : i32
    %dma_start3A_157 = arith.constant 3 : i32
    %dma_start3A_158 = arith.constant 0 : i32
    %dma_start3A_159 = arith.constant 0 : i32
    %dma_start3A_160 = tpu.memref_slice %arg6[%dma_start3A_157, %dma_start3A_158, %dma_start3A_159] : memref<4x256x64xf32, #tpu.memory_space<vmem>> -> memref<1x256x64xf32, #tpu.memory_space<vmem>>
    %dma_start3A_161 = tpu.memref_squeeze %dma_start3A_160 : memref<1x256x64xf32, #tpu.memory_space<vmem>> -> memref<256x64xf32, #tpu.memory_space<vmem>>
    %dma_start3A_162 = arith.constant 0 : i32
    %dma_start3A_163 = tpu.memref_slice %arg4[%mul3A_156, %dma_start3A_162] : memref<425984x64xf32, #tpu.memory_space<hbm>> -> memref<256x64xf32, #tpu.memory_space<hbm>>
    %dma_start3A_164 = arith.constant 0 : i32
    %dma_start3A_165 = tpu.memref_slice %arg4[%mul3A_156, %dma_start3A_164] : memref<425984x64xf32, #tpu.memory_space<hbm>> -> memref<256x64xf32, #tpu.memory_space<hbm>>
    %dma_start3A_166 = arith.constant 0 : i32
    %dma_start3A_167 = arith.constant 0 : i32
    %dma_start3A_168 = tpu.memref_slice %arg6[%dma_start3A_157, %dma_start3A_166, %dma_start3A_167] : memref<4x256x64xf32, #tpu.memory_space<vmem>> -> memref<1x256x64xf32, #tpu.memory_space<vmem>>
    %dma_start3A_169 = tpu.memref_squeeze %dma_start3A_168 : memref<1x256x64xf32, #tpu.memory_space<vmem>> -> memref<256x64xf32, #tpu.memory_space<vmem>>
    tpu.enqueue_dma source(%dma_start3A_169 : memref<256x64xf32, #tpu.memory_space<vmem>>) target(%dma_start3A_165 : memref<256x64xf32, #tpu.memory_space<hbm>>) target_semaphore(%arg14 : memref<!tpu.dma_semaphore, #tpu.memory_space<semaphore_mem>>)
    %add3A_170 = arith.constant 44 : i32
    %add3A_171 = arith.addi %mul3A_2, %add3A_170 : i32
    %mul3A_172 = arith.constant 256 : i32
    %mul3A_173 = arith.muli %add3A_171, %mul3A_172 : i32
    %dma_wait3A_174 = arith.constant 0 : i32
    %dma_wait3A_175 = arith.constant 0 : i32
    %dma_wait3A_176 = arith.constant 0 : i32
    %dma_wait3A_177 = tpu.memref_slice %arg6[%dma_wait3A_174, %dma_wait3A_175, %dma_wait3A_176] : memref<4x256x64xf32, #tpu.memory_space<vmem>> -> memref<1x256x64xf32, #tpu.memory_space<vmem>>
    %dma_wait3A_178 = tpu.memref_squeeze %dma_wait3A_177 : memref<1x256x64xf32, #tpu.memory_space<vmem>> -> memref<256x64xf32, #tpu.memory_space<vmem>>
    %dma_wait3A_179 = arith.constant 0 : i32
    %dma_wait3A_180 = tpu.memref_slice %arg4[%mul3A_173, %dma_wait3A_179] : memref<425984x64xf32, #tpu.memory_space<hbm>> -> memref<256x64xf32, #tpu.memory_space<hbm>>
    %dma_wait3A_181 = arith.constant 0 : i32
    %dma_wait3A_182 = tpu.memref_slice %arg4[%mul3A_173, %dma_wait3A_181] : memref<425984x64xf32, #tpu.memory_space<hbm>> -> memref<256x64xf32, #tpu.memory_space<hbm>>
    %dma_wait3A_183 = arith.constant 0 : i32
    %dma_wait3A_184 = arith.constant 0 : i32
    %dma_wait3A_185 = tpu.memref_slice %arg6[%dma_wait3A_174, %dma_wait3A_183, %dma_wait3A_184] : memref<4x256x64xf32, #tpu.memory_space<vmem>> -> memref<1x256x64xf32, #tpu.memory_space<vmem>>
    %dma_wait3A_186 = tpu.memref_squeeze %dma_wait3A_185 : memref<1x256x64xf32, #tpu.memory_space<vmem>> -> memref<256x64xf32, #tpu.memory_space<vmem>>
    tpu.wait_dma2 semaphore(%arg11 : memref<!tpu.dma_semaphore, #tpu.memory_space<semaphore_mem>>) src(%dma_wait3A_186 : memref<256x64xf32, #tpu.memory_space<vmem>>) dst(%dma_wait3A_182 : memref<256x64xf32, #tpu.memory_space<hbm>>)
    %add3A_187 = arith.constant 45 : i32
    %add3A_188 = arith.addi %mul3A_2, %add3A_187 : i32
    %mul3A_189 = arith.constant 256 : i32
    %mul3A_190 = arith.muli %add3A_188, %mul3A_189 : i32
    %dma_wait3A_191 = arith.constant 1 : i32
    %dma_wait3A_192 = arith.constant 0 : i32
    %dma_wait3A_193 = arith.constant 0 : i32
    %dma_wait3A_194 = tpu.memref_slice %arg6[%dma_wait3A_191, %dma_wait3A_192, %dma_wait3A_193] : memref<4x256x64xf32, #tpu.memory_space<vmem>> -> memref<1x256x64xf32, #tpu.memory_space<vmem>>
    %dma_wait3A_195 = tpu.memref_squeeze %dma_wait3A_194 : memref<1x256x64xf32, #tpu.memory_space<vmem>> -> memref<256x64xf32, #tpu.memory_space<vmem>>
    %dma_wait3A_196 = arith.constant 0 : i32
    %dma_wait3A_197 = tpu.memref_slice %arg4[%mul3A_190, %dma_wait3A_196] : memref<425984x64xf32, #tpu.memory_space<hbm>> -> memref<256x64xf32, #tpu.memory_space<hbm>>
    %dma_wait3A_198 = arith.constant 0 : i32
    %dma_wait3A_199 = tpu.memref_slice %arg4[%mul3A_190, %dma_wait3A_198] : memref<425984x64xf32, #tpu.memory_space<hbm>> -> memref<256x64xf32, #tpu.memory_space<hbm>>
    %dma_wait3A_200 = arith.constant 0 : i32
    %dma_wait3A_201 = arith.constant 0 : i32
    %dma_wait3A_202 = tpu.memref_slice %arg6[%dma_wait3A_191, %dma_wait3A_200, %dma_wait3A_201] : memref<4x256x64xf32, #tpu.memory_space<vmem>> -> memref<1x256x64xf32, #tpu.memory_space<vmem>>
    %dma_wait3A_203 = tpu.memref_squeeze %dma_wait3A_202 : memref<1x256x64xf32, #tpu.memory_space<vmem>> -> memref<256x64xf32, #tpu.memory_space<vmem>>
    tpu.wait_dma2 semaphore(%arg12 : memref<!tpu.dma_semaphore, #tpu.memory_space<semaphore_mem>>) src(%dma_wait3A_203 : memref<256x64xf32, #tpu.memory_space<vmem>>) dst(%dma_wait3A_199 : memref<256x64xf32, #tpu.memory_space<hbm>>)
    %dma_start3A_204 = arith.constant 48 : i32
    %dma_start3A_205 = arith.constant 0 : i32
    %dma_start3A_206 = arith.constant 0 : i32
    %dma_start3A_207 = arith.constant 0 : i32
    %dma_start3A_208 = tpu.memref_slice %arg6[%dma_start3A_205, %dma_start3A_206, %dma_start3A_207] : memref<4x256x64xf32, #tpu.memory_space<vmem>> -> memref<1x256x64xf32, #tpu.memory_space<vmem>>
    %dma_start3A_209 = tpu.memref_squeeze %dma_start3A_208 : memref<1x256x64xf32, #tpu.memory_space<vmem>> -> memref<256x64xf32, #tpu.memory_space<vmem>>
    %dma_start3A_210 = arith.constant 0 : i32
    %dma_start3A_211 = tpu.memref_slice %arg5[%dma_start3A_204, %dma_start3A_210] : memref<52x256xi32, #tpu.memory_space<vmem>> -> memref<1x256xi32, #tpu.memory_space<vmem>>
    %dma_start3A_212 = tpu.memref_squeeze %dma_start3A_211 : memref<1x256xi32, #tpu.memory_space<vmem>> -> memref<256xi32, #tpu.memory_space<vmem>>
    %dma_start3A_213 = arith.constant 0 : i32
    %dma_start3A_214 = arith.constant 0 : i32
    %dma_start3A_215 = tpu.memref_slice %arg3[%dma_start3A_213, %dma_start3A_214] : memref<1000000x64xf32, #tpu.memory_space<hbm>> -> memref<1000000x64xf32, #tpu.memory_space<hbm>>
    tpu.enqueue_indirect_dma source(%dma_start3A_215 : memref<1000000x64xf32, #tpu.memory_space<hbm>>) target(%dma_start3A_209 : memref<256x64xf32, #tpu.memory_space<vmem>>) offsets(%dma_start3A_212 : memref<256xi32, #tpu.memory_space<vmem>>) semaphore(%arg7 : memref<!tpu.dma_semaphore, #tpu.memory_space<semaphore_mem>>)
    %dma_start3A_216 = arith.constant 49 : i32
    %dma_start3A_217 = arith.constant 1 : i32
    %dma_start3A_218 = arith.constant 0 : i32
    %dma_start3A_219 = arith.constant 0 : i32
    %dma_start3A_220 = tpu.memref_slice %arg6[%dma_start3A_217, %dma_start3A_218, %dma_start3A_219] : memref<4x256x64xf32, #tpu.memory_space<vmem>> -> memref<1x256x64xf32, #tpu.memory_space<vmem>>
    %dma_start3A_221 = tpu.memref_squeeze %dma_start3A_220 : memref<1x256x64xf32, #tpu.memory_space<vmem>> -> memref<256x64xf32, #tpu.memory_space<vmem>>
    %dma_start3A_222 = arith.constant 0 : i32
    %dma_start3A_223 = tpu.memref_slice %arg5[%dma_start3A_216, %dma_start3A_222] : memref<52x256xi32, #tpu.memory_space<vmem>> -> memref<1x256xi32, #tpu.memory_space<vmem>>
    %dma_start3A_224 = tpu.memref_squeeze %dma_start3A_223 : memref<1x256xi32, #tpu.memory_space<vmem>> -> memref<256xi32, #tpu.memory_space<vmem>>
    %dma_start3A_225 = arith.constant 0 : i32
    %dma_start3A_226 = arith.constant 0 : i32
    %dma_start3A_227 = tpu.memref_slice %arg3[%dma_start3A_225, %dma_start3A_226] : memref<1000000x64xf32, #tpu.memory_space<hbm>> -> memref<1000000x64xf32, #tpu.memory_space<hbm>>
    tpu.enqueue_indirect_dma source(%dma_start3A_227 : memref<1000000x64xf32, #tpu.memory_space<hbm>>) target(%dma_start3A_221 : memref<256x64xf32, #tpu.memory_space<vmem>>) offsets(%dma_start3A_224 : memref<256xi32, #tpu.memory_space<vmem>>) semaphore(%arg8 : memref<!tpu.dma_semaphore, #tpu.memory_space<semaphore_mem>>)
    %dma_wait3A_228 = arith.constant 48 : i32
    %dma_wait3A_229 = arith.constant 0 : i32
    %dma_wait3A_230 = arith.constant 0 : i32
    %dma_wait3A_231 = arith.constant 0 : i32
    %dma_wait3A_232 = tpu.memref_slice %arg6[%dma_wait3A_229, %dma_wait3A_230, %dma_wait3A_231] : memref<4x256x64xf32, #tpu.memory_space<vmem>> -> memref<1x256x64xf32, #tpu.memory_space<vmem>>
    %dma_wait3A_233 = tpu.memref_squeeze %dma_wait3A_232 : memref<1x256x64xf32, #tpu.memory_space<vmem>> -> memref<256x64xf32, #tpu.memory_space<vmem>>
    %dma_wait3A_234 = arith.constant 0 : i32
    %dma_wait3A_235 = tpu.memref_slice %arg5[%dma_wait3A_228, %dma_wait3A_234] : memref<52x256xi32, #tpu.memory_space<vmem>> -> memref<1x256xi32, #tpu.memory_space<vmem>>
    %dma_wait3A_236 = tpu.memref_squeeze %dma_wait3A_235 : memref<1x256xi32, #tpu.memory_space<vmem>> -> memref<256xi32, #tpu.memory_space<vmem>>
    %dma_wait3A_237 = arith.constant 0 : i32
    %dma_wait3A_238 = arith.constant 0 : i32
    %dma_wait3A_239 = tpu.memref_slice %arg3[%dma_wait3A_237, %dma_wait3A_238] : memref<1000000x64xf32, #tpu.memory_space<hbm>> -> memref<1000000x64xf32, #tpu.memory_space<hbm>>
    tpu.wait_indirect_dma semaphore(%arg7 : memref<!tpu.dma_semaphore, #tpu.memory_space<semaphore_mem>>) src(%dma_wait3A_239 : memref<1000000x64xf32, #tpu.memory_space<hbm>>) dst(%dma_wait3A_233 : memref<256x64xf32, #tpu.memory_space<vmem>>)
    %dma_wait3A_240 = arith.constant 49 : i32
    %dma_wait3A_241 = arith.constant 1 : i32
    %dma_wait3A_242 = arith.constant 0 : i32
    %dma_wait3A_243 = arith.constant 0 : i32
    %dma_wait3A_244 = tpu.memref_slice %arg6[%dma_wait3A_241, %dma_wait3A_242, %dma_wait3A_243] : memref<4x256x64xf32, #tpu.memory_space<vmem>> -> memref<1x256x64xf32, #tpu.memory_space<vmem>>
    %dma_wait3A_245 = tpu.memref_squeeze %dma_wait3A_244 : memref<1x256x64xf32, #tpu.memory_space<vmem>> -> memref<256x64xf32, #tpu.memory_space<vmem>>
    %dma_wait3A_246 = arith.constant 0 : i32
    %dma_wait3A_247 = tpu.memref_slice %arg5[%dma_wait3A_240, %dma_wait3A_246] : memref<52x256xi32, #tpu.memory_space<vmem>> -> memref<1x256xi32, #tpu.memory_space<vmem>>
    %dma_wait3A_248 = tpu.memref_squeeze %dma_wait3A_247 : memref<1x256xi32, #tpu.memory_space<vmem>> -> memref<256xi32, #tpu.memory_space<vmem>>
    %dma_wait3A_249 = arith.constant 0 : i32
    %dma_wait3A_250 = arith.constant 0 : i32
    %dma_wait3A_251 = tpu.memref_slice %arg3[%dma_wait3A_249, %dma_wait3A_250] : memref<1000000x64xf32, #tpu.memory_space<hbm>> -> memref<1000000x64xf32, #tpu.memory_space<hbm>>
    tpu.wait_indirect_dma semaphore(%arg8 : memref<!tpu.dma_semaphore, #tpu.memory_space<semaphore_mem>>) src(%dma_wait3A_251 : memref<1000000x64xf32, #tpu.memory_space<hbm>>) dst(%dma_wait3A_245 : memref<256x64xf32, #tpu.memory_space<vmem>>)
    %add3A_252 = arith.constant 48 : i32
    %add3A_253 = arith.addi %mul3A_2, %add3A_252 : i32
    %mul3A_254 = arith.constant 256 : i32
    %mul3A_255 = arith.muli %add3A_253, %mul3A_254 : i32
    %dma_start3A_256 = arith.constant 0 : i32
    %dma_start3A_257 = arith.constant 0 : i32
    %dma_start3A_258 = arith.constant 0 : i32
    %dma_start3A_259 = tpu.memref_slice %arg6[%dma_start3A_256, %dma_start3A_257, %dma_start3A_258] : memref<4x256x64xf32, #tpu.memory_space<vmem>> -> memref<1x256x64xf32, #tpu.memory_space<vmem>>
    %dma_start3A_260 = tpu.memref_squeeze %dma_start3A_259 : memref<1x256x64xf32, #tpu.memory_space<vmem>> -> memref<256x64xf32, #tpu.memory_space<vmem>>
    %dma_start3A_261 = arith.constant 0 : i32
    %dma_start3A_262 = tpu.memref_slice %arg4[%mul3A_255, %dma_start3A_261] : memref<425984x64xf32, #tpu.memory_space<hbm>> -> memref<256x64xf32, #tpu.memory_space<hbm>>
    %dma_start3A_263 = arith.constant 0 : i32
    %dma_start3A_264 = tpu.memref_slice %arg4[%mul3A_255, %dma_start3A_263] : memref<425984x64xf32, #tpu.memory_space<hbm>> -> memref<256x64xf32, #tpu.memory_space<hbm>>
    %dma_start3A_265 = arith.constant 0 : i32
    %dma_start3A_266 = arith.constant 0 : i32
    %dma_start3A_267 = tpu.memref_slice %arg6[%dma_start3A_256, %dma_start3A_265, %dma_start3A_266] : memref<4x256x64xf32, #tpu.memory_space<vmem>> -> memref<1x256x64xf32, #tpu.memory_space<vmem>>
    %dma_start3A_268 = tpu.memref_squeeze %dma_start3A_267 : memref<1x256x64xf32, #tpu.memory_space<vmem>> -> memref<256x64xf32, #tpu.memory_space<vmem>>
    tpu.enqueue_dma source(%dma_start3A_268 : memref<256x64xf32, #tpu.memory_space<vmem>>) target(%dma_start3A_264 : memref<256x64xf32, #tpu.memory_space<hbm>>) target_semaphore(%arg11 : memref<!tpu.dma_semaphore, #tpu.memory_space<semaphore_mem>>)
    %add3A_269 = arith.constant 49 : i32
    %add3A_270 = arith.addi %mul3A_2, %add3A_269 : i32
    %mul3A_271 = arith.constant 256 : i32
    %mul3A_272 = arith.muli %add3A_270, %mul3A_271 : i32
    %dma_start3A_273 = arith.constant 1 : i32
    %dma_start3A_274 = arith.constant 0 : i32
    %dma_start3A_275 = arith.constant 0 : i32
    %dma_start3A_276 = tpu.memref_slice %arg6[%dma_start3A_273, %dma_start3A_274, %dma_start3A_275] : memref<4x256x64xf32, #tpu.memory_space<vmem>> -> memref<1x256x64xf32, #tpu.memory_space<vmem>>
    %dma_start3A_277 = tpu.memref_squeeze %dma_start3A_276 : memref<1x256x64xf32, #tpu.memory_space<vmem>> -> memref<256x64xf32, #tpu.memory_space<vmem>>
    %dma_start3A_278 = arith.constant 0 : i32
    %dma_start3A_279 = tpu.memref_slice %arg4[%mul3A_272, %dma_start3A_278] : memref<425984x64xf32, #tpu.memory_space<hbm>> -> memref<256x64xf32, #tpu.memory_space<hbm>>
    %dma_start3A_280 = arith.constant 0 : i32
    %dma_start3A_281 = tpu.memref_slice %arg4[%mul3A_272, %dma_start3A_280] : memref<425984x64xf32, #tpu.memory_space<hbm>> -> memref<256x64xf32, #tpu.memory_space<hbm>>
    %dma_start3A_282 = arith.constant 0 : i32
    %dma_start3A_283 = arith.constant 0 : i32
    %dma_start3A_284 = tpu.memref_slice %arg6[%dma_start3A_273, %dma_start3A_282, %dma_start3A_283] : memref<4x256x64xf32, #tpu.memory_space<vmem>> -> memref<1x256x64xf32, #tpu.memory_space<vmem>>
    %dma_start3A_285 = tpu.memref_squeeze %dma_start3A_284 : memref<1x256x64xf32, #tpu.memory_space<vmem>> -> memref<256x64xf32, #tpu.memory_space<vmem>>
    tpu.enqueue_dma source(%dma_start3A_285 : memref<256x64xf32, #tpu.memory_space<vmem>>) target(%dma_start3A_281 : memref<256x64xf32, #tpu.memory_space<hbm>>) target_semaphore(%arg12 : memref<!tpu.dma_semaphore, #tpu.memory_space<semaphore_mem>>)
    %add3A_286 = arith.constant 46 : i32
    %add3A_287 = arith.addi %mul3A_2, %add3A_286 : i32
    %mul3A_288 = arith.constant 256 : i32
    %mul3A_289 = arith.muli %add3A_287, %mul3A_288 : i32
    %dma_wait3A_290 = arith.constant 2 : i32
    %dma_wait3A_291 = arith.constant 0 : i32
    %dma_wait3A_292 = arith.constant 0 : i32
    %dma_wait3A_293 = tpu.memref_slice %arg6[%dma_wait3A_290, %dma_wait3A_291, %dma_wait3A_292] : memref<4x256x64xf32, #tpu.memory_space<vmem>> -> memref<1x256x64xf32, #tpu.memory_space<vmem>>
    %dma_wait3A_294 = tpu.memref_squeeze %dma_wait3A_293 : memref<1x256x64xf32, #tpu.memory_space<vmem>> -> memref<256x64xf32, #tpu.memory_space<vmem>>
    %dma_wait3A_295 = arith.constant 0 : i32
    %dma_wait3A_296 = tpu.memref_slice %arg4[%mul3A_289, %dma_wait3A_295] : memref<425984x64xf32, #tpu.memory_space<hbm>> -> memref<256x64xf32, #tpu.memory_space<hbm>>
    %dma_wait3A_297 = arith.constant 0 : i32
    %dma_wait3A_298 = tpu.memref_slice %arg4[%mul3A_289, %dma_wait3A_297] : memref<425984x64xf32, #tpu.memory_space<hbm>> -> memref<256x64xf32, #tpu.memory_space<hbm>>
    %dma_wait3A_299 = arith.constant 0 : i32
    %dma_wait3A_300 = arith.constant 0 : i32
    %dma_wait3A_301 = tpu.memref_slice %arg6[%dma_wait3A_290, %dma_wait3A_299, %dma_wait3A_300] : memref<4x256x64xf32, #tpu.memory_space<vmem>> -> memref<1x256x64xf32, #tpu.memory_space<vmem>>
    %dma_wait3A_302 = tpu.memref_squeeze %dma_wait3A_301 : memref<1x256x64xf32, #tpu.memory_space<vmem>> -> memref<256x64xf32, #tpu.memory_space<vmem>>
    tpu.wait_dma2 semaphore(%arg13 : memref<!tpu.dma_semaphore, #tpu.memory_space<semaphore_mem>>) src(%dma_wait3A_302 : memref<256x64xf32, #tpu.memory_space<vmem>>) dst(%dma_wait3A_298 : memref<256x64xf32, #tpu.memory_space<hbm>>)
    %add3A_303 = arith.constant 47 : i32
    %add3A_304 = arith.addi %mul3A_2, %add3A_303 : i32
    %mul3A_305 = arith.constant 256 : i32
    %mul3A_306 = arith.muli %add3A_304, %mul3A_305 : i32
    %dma_wait3A_307 = arith.constant 3 : i32
    %dma_wait3A_308 = arith.constant 0 : i32
    %dma_wait3A_309 = arith.constant 0 : i32
    %dma_wait3A_310 = tpu.memref_slice %arg6[%dma_wait3A_307, %dma_wait3A_308, %dma_wait3A_309] : memref<4x256x64xf32, #tpu.memory_space<vmem>> -> memref<1x256x64xf32, #tpu.memory_space<vmem>>
    %dma_wait3A_311 = tpu.memref_squeeze %dma_wait3A_310 : memref<1x256x64xf32, #tpu.memory_space<vmem>> -> memref<256x64xf32, #tpu.memory_space<vmem>>
    %dma_wait3A_312 = arith.constant 0 : i32
    %dma_wait3A_313 = tpu.memref_slice %arg4[%mul3A_306, %dma_wait3A_312] : memref<425984x64xf32, #tpu.memory_space<hbm>> -> memref<256x64xf32, #tpu.memory_space<hbm>>
    %dma_wait3A_314 = arith.constant 0 : i32
    %dma_wait3A_315 = tpu.memref_slice %arg4[%mul3A_306, %dma_wait3A_314] : memref<425984x64xf32, #tpu.memory_space<hbm>> -> memref<256x64xf32, #tpu.memory_space<hbm>>
    %dma_wait3A_316 = arith.constant 0 : i32
    %dma_wait3A_317 = arith.constant 0 : i32
    %dma_wait3A_318 = tpu.memref_slice %arg6[%dma_wait3A_307, %dma_wait3A_316, %dma_wait3A_317] : memref<4x256x64xf32, #tpu.memory_space<vmem>> -> memref<1x256x64xf32, #tpu.memory_space<vmem>>
    %dma_wait3A_319 = tpu.memref_squeeze %dma_wait3A_318 : memref<1x256x64xf32, #tpu.memory_space<vmem>> -> memref<256x64xf32, #tpu.memory_space<vmem>>
    tpu.wait_dma2 semaphore(%arg14 : memref<!tpu.dma_semaphore, #tpu.memory_space<semaphore_mem>>) src(%dma_wait3A_319 : memref<256x64xf32, #tpu.memory_space<vmem>>) dst(%dma_wait3A_315 : memref<256x64xf32, #tpu.memory_space<hbm>>)
    %dma_start3A_320 = arith.constant 50 : i32
    %dma_start3A_321 = arith.constant 2 : i32
    %dma_start3A_322 = arith.constant 0 : i32
    %dma_start3A_323 = arith.constant 0 : i32
    %dma_start3A_324 = tpu.memref_slice %arg6[%dma_start3A_321, %dma_start3A_322, %dma_start3A_323] : memref<4x256x64xf32, #tpu.memory_space<vmem>> -> memref<1x256x64xf32, #tpu.memory_space<vmem>>
    %dma_start3A_325 = tpu.memref_squeeze %dma_start3A_324 : memref<1x256x64xf32, #tpu.memory_space<vmem>> -> memref<256x64xf32, #tpu.memory_space<vmem>>
    %dma_start3A_326 = arith.constant 0 : i32
    %dma_start3A_327 = tpu.memref_slice %arg5[%dma_start3A_320, %dma_start3A_326] : memref<52x256xi32, #tpu.memory_space<vmem>> -> memref<1x256xi32, #tpu.memory_space<vmem>>
    %dma_start3A_328 = tpu.memref_squeeze %dma_start3A_327 : memref<1x256xi32, #tpu.memory_space<vmem>> -> memref<256xi32, #tpu.memory_space<vmem>>
    %dma_start3A_329 = arith.constant 0 : i32
    %dma_start3A_330 = arith.constant 0 : i32
    %dma_start3A_331 = tpu.memref_slice %arg3[%dma_start3A_329, %dma_start3A_330] : memref<1000000x64xf32, #tpu.memory_space<hbm>> -> memref<1000000x64xf32, #tpu.memory_space<hbm>>
    tpu.enqueue_indirect_dma source(%dma_start3A_331 : memref<1000000x64xf32, #tpu.memory_space<hbm>>) target(%dma_start3A_325 : memref<256x64xf32, #tpu.memory_space<vmem>>) offsets(%dma_start3A_328 : memref<256xi32, #tpu.memory_space<vmem>>) semaphore(%arg9 : memref<!tpu.dma_semaphore, #tpu.memory_space<semaphore_mem>>)
    %dma_start3A_332 = arith.constant 51 : i32
    %dma_start3A_333 = arith.constant 3 : i32
    %dma_start3A_334 = arith.constant 0 : i32
    %dma_start3A_335 = arith.constant 0 : i32
    %dma_start3A_336 = tpu.memref_slice %arg6[%dma_start3A_333, %dma_start3A_334, %dma_start3A_335] : memref<4x256x64xf32, #tpu.memory_space<vmem>> -> memref<1x256x64xf32, #tpu.memory_space<vmem>>
    %dma_start3A_337 = tpu.memref_squeeze %dma_start3A_336 : memref<1x256x64xf32, #tpu.memory_space<vmem>> -> memref<256x64xf32, #tpu.memory_space<vmem>>
    %dma_start3A_338 = arith.constant 0 : i32
    %dma_start3A_339 = tpu.memref_slice %arg5[%dma_start3A_332, %dma_start3A_338] : memref<52x256xi32, #tpu.memory_space<vmem>> -> memref<1x256xi32, #tpu.memory_space<vmem>>
    %dma_start3A_340 = tpu.memref_squeeze %dma_start3A_339 : memref<1x256xi32, #tpu.memory_space<vmem>> -> memref<256xi32, #tpu.memory_space<vmem>>
    %dma_start3A_341 = arith.constant 0 : i32
    %dma_start3A_342 = arith.constant 0 : i32
    %dma_start3A_343 = tpu.memref_slice %arg3[%dma_start3A_341, %dma_start3A_342] : memref<1000000x64xf32, #tpu.memory_space<hbm>> -> memref<1000000x64xf32, #tpu.memory_space<hbm>>
    tpu.enqueue_indirect_dma source(%dma_start3A_343 : memref<1000000x64xf32, #tpu.memory_space<hbm>>) target(%dma_start3A_337 : memref<256x64xf32, #tpu.memory_space<vmem>>) offsets(%dma_start3A_340 : memref<256xi32, #tpu.memory_space<vmem>>) semaphore(%arg10 : memref<!tpu.dma_semaphore, #tpu.memory_space<semaphore_mem>>)
    %dma_wait3A_344 = arith.constant 50 : i32
    %dma_wait3A_345 = arith.constant 2 : i32
    %dma_wait3A_346 = arith.constant 0 : i32
    %dma_wait3A_347 = arith.constant 0 : i32
    %dma_wait3A_348 = tpu.memref_slice %arg6[%dma_wait3A_345, %dma_wait3A_346, %dma_wait3A_347] : memref<4x256x64xf32, #tpu.memory_space<vmem>> -> memref<1x256x64xf32, #tpu.memory_space<vmem>>
    %dma_wait3A_349 = tpu.memref_squeeze %dma_wait3A_348 : memref<1x256x64xf32, #tpu.memory_space<vmem>> -> memref<256x64xf32, #tpu.memory_space<vmem>>
    %dma_wait3A_350 = arith.constant 0 : i32
    %dma_wait3A_351 = tpu.memref_slice %arg5[%dma_wait3A_344, %dma_wait3A_350] : memref<52x256xi32, #tpu.memory_space<vmem>> -> memref<1x256xi32, #tpu.memory_space<vmem>>
    %dma_wait3A_352 = tpu.memref_squeeze %dma_wait3A_351 : memref<1x256xi32, #tpu.memory_space<vmem>> -> memref<256xi32, #tpu.memory_space<vmem>>
    %dma_wait3A_353 = arith.constant 0 : i32
    %dma_wait3A_354 = arith.constant 0 : i32
    %dma_wait3A_355 = tpu.memref_slice %arg3[%dma_wait3A_353, %dma_wait3A_354] : memref<1000000x64xf32, #tpu.memory_space<hbm>> -> memref<1000000x64xf32, #tpu.memory_space<hbm>>
    tpu.wait_indirect_dma semaphore(%arg9 : memref<!tpu.dma_semaphore, #tpu.memory_space<semaphore_mem>>) src(%dma_wait3A_355 : memref<1000000x64xf32, #tpu.memory_space<hbm>>) dst(%dma_wait3A_349 : memref<256x64xf32, #tpu.memory_space<vmem>>)
    %dma_wait3A_356 = arith.constant 51 : i32
    %dma_wait3A_357 = arith.constant 3 : i32
    %dma_wait3A_358 = arith.constant 0 : i32
    %dma_wait3A_359 = arith.constant 0 : i32
    %dma_wait3A_360 = tpu.memref_slice %arg6[%dma_wait3A_357, %dma_wait3A_358, %dma_wait3A_359] : memref<4x256x64xf32, #tpu.memory_space<vmem>> -> memref<1x256x64xf32, #tpu.memory_space<vmem>>
    %dma_wait3A_361 = tpu.memref_squeeze %dma_wait3A_360 : memref<1x256x64xf32, #tpu.memory_space<vmem>> -> memref<256x64xf32, #tpu.memory_space<vmem>>
    %dma_wait3A_362 = arith.constant 0 : i32
    %dma_wait3A_363 = tpu.memref_slice %arg5[%dma_wait3A_356, %dma_wait3A_362] : memref<52x256xi32, #tpu.memory_space<vmem>> -> memref<1x256xi32, #tpu.memory_space<vmem>>
    %dma_wait3A_364 = tpu.memref_squeeze %dma_wait3A_363 : memref<1x256xi32, #tpu.memory_space<vmem>> -> memref<256xi32, #tpu.memory_space<vmem>>
    %dma_wait3A_365 = arith.constant 0 : i32
    %dma_wait3A_366 = arith.constant 0 : i32
    %dma_wait3A_367 = tpu.memref_slice %arg3[%dma_wait3A_365, %dma_wait3A_366] : memref<1000000x64xf32, #tpu.memory_space<hbm>> -> memref<1000000x64xf32, #tpu.memory_space<hbm>>
    tpu.wait_indirect_dma semaphore(%arg10 : memref<!tpu.dma_semaphore, #tpu.memory_space<semaphore_mem>>) src(%dma_wait3A_367 : memref<1000000x64xf32, #tpu.memory_space<hbm>>) dst(%dma_wait3A_361 : memref<256x64xf32, #tpu.memory_space<vmem>>)
    %add3A_368 = arith.constant 50 : i32
    %add3A_369 = arith.addi %mul3A_2, %add3A_368 : i32
    %mul3A_370 = arith.constant 256 : i32
    %mul3A_371 = arith.muli %add3A_369, %mul3A_370 : i32
    %dma_start3A_372 = arith.constant 2 : i32
    %dma_start3A_373 = arith.constant 0 : i32
    %dma_start3A_374 = arith.constant 0 : i32
    %dma_start3A_375 = tpu.memref_slice %arg6[%dma_start3A_372, %dma_start3A_373, %dma_start3A_374] : memref<4x256x64xf32, #tpu.memory_space<vmem>> -> memref<1x256x64xf32, #tpu.memory_space<vmem>>
    %dma_start3A_376 = tpu.memref_squeeze %dma_start3A_375 : memref<1x256x64xf32, #tpu.memory_space<vmem>> -> memref<256x64xf32, #tpu.memory_space<vmem>>
    %dma_start3A_377 = arith.constant 0 : i32
    %dma_start3A_378 = tpu.memref_slice %arg4[%mul3A_371, %dma_start3A_377] : memref<425984x64xf32, #tpu.memory_space<hbm>> -> memref<256x64xf32, #tpu.memory_space<hbm>>
    %dma_start3A_379 = arith.constant 0 : i32
    %dma_start3A_380 = tpu.memref_slice %arg4[%mul3A_371, %dma_start3A_379] : memref<425984x64xf32, #tpu.memory_space<hbm>> -> memref<256x64xf32, #tpu.memory_space<hbm>>
    %dma_start3A_381 = arith.constant 0 : i32
    %dma_start3A_382 = arith.constant 0 : i32
    %dma_start3A_383 = tpu.memref_slice %arg6[%dma_start3A_372, %dma_start3A_381, %dma_start3A_382] : memref<4x256x64xf32, #tpu.memory_space<vmem>> -> memref<1x256x64xf32, #tpu.memory_space<vmem>>
    %dma_start3A_384 = tpu.memref_squeeze %dma_start3A_383 : memref<1x256x64xf32, #tpu.memory_space<vmem>> -> memref<256x64xf32, #tpu.memory_space<vmem>>
    tpu.enqueue_dma source(%dma_start3A_384 : memref<256x64xf32, #tpu.memory_space<vmem>>) target(%dma_start3A_380 : memref<256x64xf32, #tpu.memory_space<hbm>>) target_semaphore(%arg13 : memref<!tpu.dma_semaphore, #tpu.memory_space<semaphore_mem>>)
    %add3A_385 = arith.constant 51 : i32
    %add3A_386 = arith.addi %mul3A_2, %add3A_385 : i32
    %mul3A_387 = arith.constant 256 : i32
    %mul3A_388 = arith.muli %add3A_386, %mul3A_387 : i32
    %dma_start3A_389 = arith.constant 3 : i32
    %dma_start3A_390 = arith.constant 0 : i32
    %dma_start3A_391 = arith.constant 0 : i32
    %dma_start3A_392 = tpu.memref_slice %arg6[%dma_start3A_389, %dma_start3A_390, %dma_start3A_391] : memref<4x256x64xf32, #tpu.memory_space<vmem>> -> memref<1x256x64xf32, #tpu.memory_space<vmem>>
    %dma_start3A_393 = tpu.memref_squeeze %dma_start3A_392 : memref<1x256x64xf32, #tpu.memory_space<vmem>> -> memref<256x64xf32, #tpu.memory_space<vmem>>
    %dma_start3A_394 = arith.constant 0 : i32
    %dma_start3A_395 = tpu.memref_slice %arg4[%mul3A_388, %dma_start3A_394] : memref<425984x64xf32, #tpu.memory_space<hbm>> -> memref<256x64xf32, #tpu.memory_space<hbm>>
    %dma_start3A_396 = arith.constant 0 : i32
    %dma_start3A_397 = tpu.memref_slice %arg4[%mul3A_388, %dma_start3A_396] : memref<425984x64xf32, #tpu.memory_space<hbm>> -> memref<256x64xf32, #tpu.memory_space<hbm>>
    %dma_start3A_398 = arith.constant 0 : i32
    %dma_start3A_399 = arith.constant 0 : i32
    %dma_start3A_400 = tpu.memref_slice %arg6[%dma_start3A_389, %dma_start3A_398, %dma_start3A_399] : memref<4x256x64xf32, #tpu.memory_space<vmem>> -> memref<1x256x64xf32, #tpu.memory_space<vmem>>
    %dma_start3A_401 = tpu.memref_squeeze %dma_start3A_400 : memref<1x256x64xf32, #tpu.memory_space<vmem>> -> memref<256x64xf32, #tpu.memory_space<vmem>>
    tpu.enqueue_dma source(%dma_start3A_401 : memref<256x64xf32, #tpu.memory_space<vmem>>) target(%dma_start3A_397 : memref<256x64xf32, #tpu.memory_space<hbm>>) target_semaphore(%arg14 : memref<!tpu.dma_semaphore, #tpu.memory_space<semaphore_mem>>)
    %add3A_402 = arith.constant 48 : i32
    %add3A_403 = arith.addi %mul3A_2, %add3A_402 : i32
    %mul3A_404 = arith.constant 256 : i32
    %mul3A_405 = arith.muli %add3A_403, %mul3A_404 : i32
    %dma_wait3A_406 = arith.constant 0 : i32
    %dma_wait3A_407 = arith.constant 0 : i32
    %dma_wait3A_408 = arith.constant 0 : i32
    %dma_wait3A_409 = tpu.memref_slice %arg6[%dma_wait3A_406, %dma_wait3A_407, %dma_wait3A_408] : memref<4x256x64xf32, #tpu.memory_space<vmem>> -> memref<1x256x64xf32, #tpu.memory_space<vmem>>
    %dma_wait3A_410 = tpu.memref_squeeze %dma_wait3A_409 : memref<1x256x64xf32, #tpu.memory_space<vmem>> -> memref<256x64xf32, #tpu.memory_space<vmem>>
    %dma_wait3A_411 = arith.constant 0 : i32
    %dma_wait3A_412 = tpu.memref_slice %arg4[%mul3A_405, %dma_wait3A_411] : memref<425984x64xf32, #tpu.memory_space<hbm>> -> memref<256x64xf32, #tpu.memory_space<hbm>>
    %dma_wait3A_413 = arith.constant 0 : i32
    %dma_wait3A_414 = tpu.memref_slice %arg4[%mul3A_405, %dma_wait3A_413] : memref<425984x64xf32, #tpu.memory_space<hbm>> -> memref<256x64xf32, #tpu.memory_space<hbm>>
    %dma_wait3A_415 = arith.constant 0 : i32
    %dma_wait3A_416 = arith.constant 0 : i32
    %dma_wait3A_417 = tpu.memref_slice %arg6[%dma_wait3A_406, %dma_wait3A_415, %dma_wait3A_416] : memref<4x256x64xf32, #tpu.memory_space<vmem>> -> memref<1x256x64xf32, #tpu.memory_space<vmem>>
    %dma_wait3A_418 = tpu.memref_squeeze %dma_wait3A_417 : memref<1x256x64xf32, #tpu.memory_space<vmem>> -> memref<256x64xf32, #tpu.memory_space<vmem>>
    tpu.wait_dma2 semaphore(%arg11 : memref<!tpu.dma_semaphore, #tpu.memory_space<semaphore_mem>>) src(%dma_wait3A_418 : memref<256x64xf32, #tpu.memory_space<vmem>>) dst(%dma_wait3A_414 : memref<256x64xf32, #tpu.memory_space<hbm>>)
    %add3A_419 = arith.constant 49 : i32
    %add3A_420 = arith.addi %mul3A_2, %add3A_419 : i32
    %mul3A_421 = arith.constant 256 : i32
    %mul3A_422 = arith.muli %add3A_420, %mul3A_421 : i32
    %dma_wait3A_423 = arith.constant 1 : i32
    %dma_wait3A_424 = arith.constant 0 : i32
    %dma_wait3A_425 = arith.constant 0 : i32
    %dma_wait3A_426 = tpu.memref_slice %arg6[%dma_wait3A_423, %dma_wait3A_424, %dma_wait3A_425] : memref<4x256x64xf32, #tpu.memory_space<vmem>> -> memref<1x256x64xf32, #tpu.memory_space<vmem>>
    %dma_wait3A_427 = tpu.memref_squeeze %dma_wait3A_426 : memref<1x256x64xf32, #tpu.memory_space<vmem>> -> memref<256x64xf32, #tpu.memory_space<vmem>>
    %dma_wait3A_428 = arith.constant 0 : i32
    %dma_wait3A_429 = tpu.memref_slice %arg4[%mul3A_422, %dma_wait3A_428] : memref<425984x64xf32, #tpu.memory_space<hbm>> -> memref<256x64xf32, #tpu.memory_space<hbm>>
    %dma_wait3A_430 = arith.constant 0 : i32
    %dma_wait3A_431 = tpu.memref_slice %arg4[%mul3A_422, %dma_wait3A_430] : memref<425984x64xf32, #tpu.memory_space<hbm>> -> memref<256x64xf32, #tpu.memory_space<hbm>>
    %dma_wait3A_432 = arith.constant 0 : i32
    %dma_wait3A_433 = arith.constant 0 : i32
    %dma_wait3A_434 = tpu.memref_slice %arg6[%dma_wait3A_423, %dma_wait3A_432, %dma_wait3A_433] : memref<4x256x64xf32, #tpu.memory_space<vmem>> -> memref<1x256x64xf32, #tpu.memory_space<vmem>>
    %dma_wait3A_435 = tpu.memref_squeeze %dma_wait3A_434 : memref<1x256x64xf32, #tpu.memory_space<vmem>> -> memref<256x64xf32, #tpu.memory_space<vmem>>
    tpu.wait_dma2 semaphore(%arg12 : memref<!tpu.dma_semaphore, #tpu.memory_space<semaphore_mem>>) src(%dma_wait3A_435 : memref<256x64xf32, #tpu.memory_space<vmem>>) dst(%dma_wait3A_431 : memref<256x64xf32, #tpu.memory_space<hbm>>)
    %add3A_436 = arith.constant 50 : i32
    %add3A_437 = arith.addi %mul3A_2, %add3A_436 : i32
    %mul3A_438 = arith.constant 256 : i32
    %mul3A_439 = arith.muli %add3A_437, %mul3A_438 : i32
    %dma_wait3A_440 = arith.constant 2 : i32
    %dma_wait3A_441 = arith.constant 0 : i32
    %dma_wait3A_442 = arith.constant 0 : i32
    %dma_wait3A_443 = tpu.memref_slice %arg6[%dma_wait3A_440, %dma_wait3A_441, %dma_wait3A_442] : memref<4x256x64xf32, #tpu.memory_space<vmem>> -> memref<1x256x64xf32, #tpu.memory_space<vmem>>
    %dma_wait3A_444 = tpu.memref_squeeze %dma_wait3A_443 : memref<1x256x64xf32, #tpu.memory_space<vmem>> -> memref<256x64xf32, #tpu.memory_space<vmem>>
    %dma_wait3A_445 = arith.constant 0 : i32
    %dma_wait3A_446 = tpu.memref_slice %arg4[%mul3A_439, %dma_wait3A_445] : memref<425984x64xf32, #tpu.memory_space<hbm>> -> memref<256x64xf32, #tpu.memory_space<hbm>>
    %dma_wait3A_447 = arith.constant 0 : i32
    %dma_wait3A_448 = tpu.memref_slice %arg4[%mul3A_439, %dma_wait3A_447] : memref<425984x64xf32, #tpu.memory_space<hbm>> -> memref<256x64xf32, #tpu.memory_space<hbm>>
    %dma_wait3A_449 = arith.constant 0 : i32
    %dma_wait3A_450 = arith.constant 0 : i32
    %dma_wait3A_451 = tpu.memref_slice %arg6[%dma_wait3A_440, %dma_wait3A_449, %dma_wait3A_450] : memref<4x256x64xf32, #tpu.memory_space<vmem>> -> memref<1x256x64xf32, #tpu.memory_space<vmem>>
    %dma_wait3A_452 = tpu.memref_squeeze %dma_wait3A_451 : memref<1x256x64xf32, #tpu.memory_space<vmem>> -> memref<256x64xf32, #tpu.memory_space<vmem>>
    tpu.wait_dma2 semaphore(%arg13 : memref<!tpu.dma_semaphore, #tpu.memory_space<semaphore_mem>>) src(%dma_wait3A_452 : memref<256x64xf32, #tpu.memory_space<vmem>>) dst(%dma_wait3A_448 : memref<256x64xf32, #tpu.memory_space<hbm>>)
    %add3A_453 = arith.constant 51 : i32
    %add3A_454 = arith.addi %mul3A_2, %add3A_453 : i32
    %mul3A_455 = arith.constant 256 : i32
    %mul3A_456 = arith.muli %add3A_454, %mul3A_455 : i32
    %dma_wait3A_457 = arith.constant 3 : i32
    %dma_wait3A_458 = arith.constant 0 : i32
    %dma_wait3A_459 = arith.constant 0 : i32
    %dma_wait3A_460 = tpu.memref_slice %arg6[%dma_wait3A_457, %dma_wait3A_458, %dma_wait3A_459] : memref<4x256x64xf32, #tpu.memory_space<vmem>> -> memref<1x256x64xf32, #tpu.memory_space<vmem>>
    %dma_wait3A_461 = tpu.memref_squeeze %dma_wait3A_460 : memref<1x256x64xf32, #tpu.memory_space<vmem>> -> memref<256x64xf32, #tpu.memory_space<vmem>>
    %dma_wait3A_462 = arith.constant 0 : i32
    %dma_wait3A_463 = tpu.memref_slice %arg4[%mul3A_456, %dma_wait3A_462] : memref<425984x64xf32, #tpu.memory_space<hbm>> -> memref<256x64xf32, #tpu.memory_space<hbm>>
    %dma_wait3A_464 = arith.constant 0 : i32
    %dma_wait3A_465 = tpu.memref_slice %arg4[%mul3A_456, %dma_wait3A_464] : memref<425984x64xf32, #tpu.memory_space<hbm>> -> memref<256x64xf32, #tpu.memory_space<hbm>>
    %dma_wait3A_466 = arith.constant 0 : i32
    %dma_wait3A_467 = arith.constant 0 : i32
    %dma_wait3A_468 = tpu.memref_slice %arg6[%dma_wait3A_457, %dma_wait3A_466, %dma_wait3A_467] : memref<4x256x64xf32, #tpu.memory_space<vmem>> -> memref<1x256x64xf32, #tpu.memory_space<vmem>>
    %dma_wait3A_469 = tpu.memref_squeeze %dma_wait3A_468 : memref<1x256x64xf32, #tpu.memory_space<vmem>> -> memref<256x64xf32, #tpu.memory_space<vmem>>
    tpu.wait_dma2 semaphore(%arg14 : memref<!tpu.dma_semaphore, #tpu.memory_space<semaphore_mem>>) src(%dma_wait3A_469 : memref<256x64xf32, #tpu.memory_space<vmem>>) dst(%dma_wait3A_465 : memref<256x64xf32, #tpu.memory_space<hbm>>)
    return
  }
}

</mosaic_0001>

<sc_bundles>
// kernel: _sc_gather.3.cloned.1.call-start
scs
__scs_entry_jumppad:
0x0: {  	(pc) =	sbr.rel $0x88, $3  }
0x1: {  	(tag) =	ssettag $0x0;
	lr =	simm.s32 $0x1  }
0x2: {  	[smem:$0x3F9F] =	sst lr;
	_ =	strace $0xD0000000  }
0x3: {  	_ = 	snop  }
0x4: {  	_ = 	snop  }
0x5: {  	_ = 	snop  }
0x6: {  	_ = 	snop  }
0x7: {  	_ = 	snop  }
__scs_overlays_trampoline_lowered:
0x8: {  	[smem:$0x3FAE] =	sst s0  }
0x9: {  	[smem:$0x3FAF] =	sst s1  }
0xa: {  	[smem:$0x3FB0] =	sst s2  }
0xb: {  	[smem:$0x3FB1] =	sst s3  }
0xc: {  	[smem:$0x3FB2] =	sst s4  }
0xd: {  	[smem:$0x3FB3] =	sst s5  }
0xe: {  	[smem:$0x3FB4] =	sst s6  }
0xf: {  	[smem:$0x3FB5] =	sst s7  }
0x10: {  	[smem:$0x3FB6] =	sst s8  }
0x11: {  	[smem:$0x3FB7] =	sst s9;
	s0 =	simm.s32 @!p0 $0x0  }
0x12: {  	s1 =	sld [smem:$0x3F9D];
	s0 =	simm.s32 @p0 $0x1  }
0x13: {  	[smem:$0x3FB8] =	sst s0;
	s0 =	simm.s32 @!p1 $0x0  }
0x14: {  	s2 =	sld [smem:$0x3F9C];
	s0 =	simm.s32 @p1 $0x1  }
0x15: {  	[smem:$0x3FB9] =	sst s0;
	s0 =	simm.s32 @!p2 $0x0  }
0x16: {  	s3 =	sld [smem:$0x3FDB];
	s0 =	simm.s32 @p2 $0x1  }
0x17: {  	s4 =	simm.s32 $0x1BF5;
	[smem:$0x3FBB] =	sst s0  }
0x18: {  	s0 =	sld [smem:$0x3F9E];
	_ =	swait.ge [sflag:s4], $0x0  }
0x19: {  	s7 =	sld [smem:$0x3F9F]  }
0x1a: {  	s8 =	sadd.s32 $0xFFFFE003, lr  }
0x1b: {  	s9 =	sadd.s32 $0xFFFFFEF7, lr;
	s5 =	simm.s32 $0xFFFFFFFF;
	p2 =	slt.u32 s8, $0xFFFFF086  }
0x1c: {  	p1 =	slt.u32 s9, $0xF7A;
	s5 =	simm.s32 @!p2 $0x0  }
0x1d: {  	s5 =	simm.s32 @p1 $0x1;
	p0 =	seq.s32 s7, s2  }
0x1e: {  	s7 =	smul.u32 @!p0 $0xF7A, s2;
	p2 =	seq.s32 @!p0 s5, $0x0  }
0x1f: {  	s9 =	smul.u32 $0xF7A, s1;
	s8 =	simm.s32 @!p0 $0x1BF5;
	p2 =	por !p2, p0  }
0x20: {  	[sflag:s8] =	ssyncset.s32 @!p0 $0xFFFFF086;
	s6 =	sadd.s32 @!p0 s3, s7;
	s7 =	simm.s32 @!p0 $0x108  }
0x21: {  	s3 =	sadd.s32 s3, s9;
	s6 =	sadd.s32 @!p0 $0x88, s6;
	s7 =	simm.s32 @p2 $0x1082  }
0x22: {  	[simem:s7], [sflag:s8] =	dma.local @!p0 [hbm:s6], $0xF7A  }
0x23: {  	s9 =	sor.u32 $0xD0000000, s2;
	s6 =	simm.s32 $0x108;
	_ =	swait.ge @!p0 [sflag:s8], $0x0  }
0x24: {  	s3 =	sadd.s32 $0x88, s3;
	s6 =	simm.s32 @!p1 $0x1082;
	[sflag:s4] =	ssyncset.s32 $0xFFFFF086  }
0x25: {  	[simem:s6], [sflag:s4] =	dma.local [hbm:s3], $0xF7A  }
0x26: {  	[smem:$0x3F9F] =	sst s1;
	(tag) =	ssettag s2;
	_ =	strace s9  }
0x27: {  	s1 =	sld [smem:$0x3FAF]  }
0x28: {  	s2 =	sld [smem:$0x3FB0]  }
0x29: {  	s4 =	sld [smem:$0x3FB2]  }
0x2a: {  	p0 =	seq.s32 s5, $0x0;
	s5 =	sld [smem:$0x3FB3]  }
0x2b: {  	s6 =	sld [smem:$0x3FB4]  }
0x2c: {  	s7 =	sld [smem:$0x3FB5]  }
0x2d: {  	s3 =	simm.s32 $0x108;
	s8 =	sld [smem:$0x3FB6]  }
0x2e: {  	s3 =	simm.s32 @!p0 $0x1082;
	s9 =	sld [smem:$0x3FB7]  }
0x2f: {  	lr =	sadd.s32 s0, s3;
	s0 =	sld [smem:$0x3FAE]  }
0x30: {  	s3 =	sld [smem:$0x3FB1]  }
0x31: {  	[smem:$0x3FBA] =	sst s10  }
0x32: {  	s10 =	sld [smem:$0x3FB8];
	_ =	sdelay $0x3  }
0x33: {  	p0 =	seq.s32 s10, $0x1;
	s10 =	sld [smem:$0x3FBA];
	_ =	sdelay $0x3  }
0x34: {  	[smem:$0x3FBA] =	sst s10  }
0x35: {  	s10 =	sld [smem:$0x3FB9];
	_ =	sdelay $0x3  }
0x36: {  	p1 =	seq.s32 s10, $0x1;
	s10 =	sld [smem:$0x3FBA];
	_ =	sdelay $0x3  }
0x37: {  	[smem:$0x3FBA] =	sst s10  }
0x38: {  	s10 =	sld [smem:$0x3FBB]  }
0x39: {  	_ = 	snop;
	(pc) =	sbr.ind lr, $3  }
0x3a: {  	_ = 	snop  }
0x3b: {  	_ = 	snop  }
0x3c: {  	p2 =	seq.s32 s10, $0x1;
	s10 =	sld [smem:$0x3FBA]  }
0x3d: {  	_ =	shalt  }
0x3e: {  	_ =	shalt  }
0x3f: {  	_ =	shalt  }
0x40: {  	_ =	shalt  }
0x41: {  	_ =	shalt  }
0x42: {  	_ =	shalt  }
0x43: {  	_ =	shalt  }
0x44: {  	_ =	shalt  }
0x45: {  	_ =	shalt  }
0x46: {  	_ =	shalt  }
0x47: {  	_ =	shalt  }
0x48: {  	_ =	shalt  }
0x49: {  	_ =	shalt  }
0x4a: {  	_ =	shalt  }
0x4b: {  	_ =	shalt  }
0x4c: {  	_ =	shalt  }
0x4d: {  	_ =	shalt  }
0x4e: {  	_ =	shalt  }
0x4f: {  	_ =	shalt  }
0x50: {  	_ =	shalt  }
0x51: {  	_ =	shalt  }
0x52: {  	_ =	shalt  }
0x53: {  	_ =	shalt  }
0x54: {  	_ =	shalt  }
0x55: {  	_ =	shalt  }
0x56: {  	_ =	shalt  }
0x57: {  	_ =	shalt  }
0x58: {  	_ =	shalt  }
0x59: {  	_ =	shalt  }
0x5a: {  	_ =	shalt  }
0x5b: {  	_ =	shalt  }
0x5c: {  	_ =	shalt  }
0x5d: {  	_ =	shalt  }
0x5e: {  	_ =	shalt  }
0x5f: {  	_ =	shalt  }
0x60: {  	_ =	shalt  }
0x61: {  	_ =	shalt  }
0x62: {  	_ =	shalt  }
0x63: {  	_ =	shalt  }
0x64: {  	_ =	shalt  }
0x65: {  	_ =	shalt  }
0x66: {  	_ =	shalt  }
0x67: {  	_ =	shalt  }
0x68: {  	_ =	shalt  }
0x69: {  	_ =	shalt  }
0x6a: {  	_ =	shalt  }
0x6b: {  	_ =	shalt  }
0x6c: {  	_ =	shalt  }
0x6d: {  	_ =	shalt  }
0x6e: {  	_ =	shalt  }
0x6f: {  	_ =	shalt  }
0x70: {  	_ =	shalt  }
0x71: {  	_ =	shalt  }
0x72: {  	_ =	shalt  }
0x73: {  	_ =	shalt  }
0x74: {  	_ =	shalt  }
0x75: {  	_ =	shalt  }
0x76: {  	_ =	shalt  }
0x77: {  	_ =	shalt  }
0x78: {  	_ =	shalt  }
0x79: {  	_ =	shalt  }
0x7a: {  	_ =	shalt  }
0x7b: {  	_ =	shalt  }
0x7c: {  	_ =	shalt  }
0x7d: {  	_ =	shalt  }
0x7e: {  	_ =	shalt  }
0x7f: {  	_ =	shalt  }
0x80: {  	_ =	shalt  }
0x81: {  	_ =	shalt  }
0x82: {  	_ =	shalt  }
0x83: {  	_ =	shalt  }
0x84: {  	_ =	shalt  }
0x85: {  	_ =	shalt  }
0x86: {  	_ =	shalt  }
0x87: {  	_ =	shalt  }
.Lfunc_end0:
.L_simem_size_0:
called_computation.1_lowered:
.L_overlay_start_0:
0x88: {  	s2 =	sld [smem:$0x3FD9]  }
0x89: {  	s3 =	sld [smem:$0x3FFE];
	_ =	sdelay $0x1  }
0x8a: {  	s1 =	srdreg.scid  }
0x8b: {  	s0 =	sand.u32 $0x1, s1  }
0x8c: {  	s17 =	sshll.u32 s0, $0xA;
	s2 =	sadd.s32 s3, s2  }
0x8d: {  	s2 =	sadd.s32 s2, s17  }
0x8e: {  	[smem:$0x3FC6] =	sst s2  }
0x8f: {  	_ = 	snop  }
0x90: {  	s2 =	sld [smem:$0x3FD0];
	(tm) =	ssettm $0x1  }
0x91: {  	s18 =	sld [smem:$0x3FFB];
	_ =	sdelay $0x3  }
0x92: {  	_ =	strace s18  }
0x93: {  	s3 =	sld [smem:$0x3FFC];
	_ =	sdelay $0x3  }
0x94: {  	_ =	strace s3  }
0x95: {  	s3 =	sld [smem:$0x3FFD];
	_ =	sdelay $0x3  }
0x96: {  	_ =	strace s3  }
0x97: {  	_ =	strace $0x8FFFFFFF  }
0x98: {  	s19 =	sld [smem:$0x3FDB];
	_ =	sdelay $0x1  }
0x99: {  	s4 =	simm.s32 $_scs_section_size  }
0x9a: {  	s5 =	simm.s32 $_size__tile_overlayer_lowered;
	s6 =	simm.s32 $_tile_overlayer_lowered  }
0x9b: {  	s22 =	simm.s32 $0x1BFF;
	s21 =	sshll.u32 s6, $0x1;
	s3 =	sadd.s32 s4, s19  }
0x9c: {  	s7 =	simm.s32 $0x0;
	s20 =	sshll.u32 s5, $0x1;
	s5 =	sadd.s32 s21, s3  }
0x9d: {  	[timem:s7], [sflag:s22] =	dma.local [hbm:s5], s20  }
0x9e: {  	_ =	swait.ge [sflag:s22], s20  }
0x9f: {  	s4 =	ssub.s32 $0x0, s20;
	[sflag:s22] =	ssyncset.done $0x0  }
0xa0: {  	[sflag:s22] =	ssyncadd.s32 s4;
	_ =	sdelay $0x1  }
0xa1: {  	s23 =	simm.s32 $0x1B8B  }
0xa2: {  	_ =	swait.ge [sflag:s23], $0x1  }
0xa3: {  	[sflag:s23] =	ssyncset.done $0x0  }
0xa4: {  	s25 =	simm.s32 $0x1B8E;
	s24 =	sld [smem:$0x3FFE];
	[sflag:s23] =	ssyncadd.s32 $0xFFFFFFFF  }
0xa5: {  	s26 =	simm.s32 $execute0_lowered;
	[smem:$0x3FD2] =	sst s25  }
0xa6: {  	s5 =	sshll.u32 s26, $0x1;
	_ =	strace $0x80000046;
	[dreg:$0x1] =	wrdreg $0xFFFFFFFF  }
0xa7: {  	s28 =	simm.s32 $_size_execute0_lowered;
	s3 =	sadd.s32 s3, s5;
	[dreg:$0x0] =	wrdreg $0x0  }
0xa8: {  	s5 =	sshll.u32 s28, $0x1;
	[dreg:$0x2] =	wrdreg s3  }
0xa9: {  	[dreg:$0x3] =	wrdreg s5  }
0xaa: {  	[dreg:$0x4] =	wrdreg $0xC0  }
0xab: {  	_ =	task [dreg:s7], $0x5FFFF  }
0xac: {  	[dreg:$0x1] =	wrdreg $0xFFFFFFFF  }
0xad: {  	[dreg:$0x0] =	wrdreg $0x60  }
0xae: {  	[dreg:$0x2] =	wrdreg s24  }
0xaf: {  	[dreg:$0x3] =	wrdreg s2  }
0xb0: {  	[dreg:$0x4] =	wrdreg $0x9  }
0xb1: {  	_ =	task.clear_ibuf [dreg:s7], $0x5FFFF;
	_ =	strace $0x90000046  }
0xb2: {  	s29 =	simm.s32 $0x9;
	_ =	strace $0x80000048  }
0xb3: {  	_ =	swait.ge [sflag:s29], $0x1  }
0xb4: {  	[sflag:s29] =	ssyncadd.s32 $0xFFFFFFFF  }
0xb5: {  	_ =	strace $0x90000048  }
0xb6: {  	_ =	sfence  }
0xb7: {  	s30 =	sld [smem:$0x0];
	_ =	sdelay $0x2  }
0xb8: {  	s31 =	sshll.u32 s1, $0xD;
	s1 =	sshrl.u32 s1, $0x2  }
0xb9: {  	s3 =	sand.u32 $0x4000, s31;
	s1 =	sadd.s32 s1, s30  }
0xba: {  	s0 =	sor.u32 s3, s0;
	s1 =	sshll.u32 s1, $0x11  }
0xbb: {  	s0 =	sor.u32 s1, s0  }
0xbc: {  	s0 =	sadd.s32 $0x8F2B, s0  }
0xbd: {  	[sflag:s0] =	ssyncadd.remote.s32 $0x1  }
0xbe: {  	_ =	sfence.sel $0xFFFF  }
0xbf: {  	[dreg:$0x0] =	wrdreg $0xFFFFFFFF;
	(pc) =	sbr.abs _section_cstart, $3  }
0xc0: {  	[dreg:$0x1] =	wrdreg $0xFFFFFFFF  }
0xc1: {  	_ =	task.clear_ibuf [dreg:s7], $0x2FFFF;
	_ =	strace $0x9FFFFFFF  }
0xc2: {  	(tm) =	ssettm $0x7FFFFFFF  }
0xc3: {  	_ =	shalt  }
tec
execute0_lowered:
.L_overlay_start_1:
0x0: {  	(tag) =	ssettag $0x1  }
0x1: {  	s0 =	rddreg [dreg:$0x0]  }
0x2: {  	s1 =	srdreg.scid;
	s9 =	stileid.u32  }
0x3: {  	s4 =	rddreg [dreg:$0x1];
	s2 =	simm.s32 $0x0;
	s28 =	simm.s32 $0x2  }
0x4: {  	s29 =	simm.s32 $0x3;
	s30 =	simm.s32 $0x4;
	s31 =	simm.s32 $0x5  }
0x5: {  	s1 =	sand.u32 $0x1, s1;
	s3 =	sshll.u32 s9, $0x1;
	s19 =	smul.u32 $0x68, s9  }
0x6: {  	s5 =	sor.u32 s1, s3;
	s7 =	ssub.s32 $0x2, s1;
	s1 =	smul.u32 $0x34, s1  }
0x7: {  	[smem:$0x7FF] =	sst s2;
	s20 =	sadd.s32 $0x800, s4;
	s3 =	smul.u32 $0x680, s5  }
0x8: {  	_ =	strace $0x80000047;
	s8 =	smul.u32 $0x1A000, s5;
	s18 =	sshrl.u32 s7, $0x1  }
0x9: {  	s5 =	smul.u32 $0xD0000, s5;
	s1 =	sadd.s32 s1, s19;
	s19 =	simm.s32 $0x100  }
0xa: {  	s6 =	sadd.s32 s3, s0;
	s3 =	sadd.s32 $0xF42E00, s0;
	s0 =	ssub.s32 s7, s18  }
0xb: {  	s5 =	sshrl.u32 s5, $0x3;
	s21 =	sadd.s32 s4, s8;
	s8 =	sadd.s32 s8, s20  }
0xc: {  	s1 =	sshll.u32 s1, $0xB;
	s18 =	simm.s32 $0x9;
	[dreg:$0x4] =	wrdreg s21  }
0xd: {  	s6 =	sadd.s32 $0xA00, s6;
	[dreg:$0x5] =	wrdreg s8;
	s5 =	sadd.s32 s4, s5  }
0xe: {  	s4 =	sadd.s32 s1, s4;
	s13 =	smax.u32 s0, $0x1;
	s26 =	sadd.s32 s20, s1  }
0xf: {  	s20 =	simm.s32 $0x3400;
	s21 =	simm.s32 $0x7400;
	s1 =	simm.s32 $0x6  }
0x10: {  	s0 =	simm.s32 $0x7;
	[dreg:$0x3] =	wrdreg s6;
	s22 =	sadd.s32 $0x17000, s5  }
0x11: {  	s23 =	sadd.s32 $0x17800, s5;
	s24 =	sadd.s32 $0x18000, s5;
	s25 =	sadd.s32 $0x18800, s5  }
0x12: {  	s11 =	sadd.s32 $0x19000, s5;
	s12 =	sadd.s32 $0x19800, s5;
	[dreg:$0x6] =	wrdreg s22  }
0x13: {  	s14 =	sadd.s32 $0x1800, s4;
	s15 =	sadd.s32 $0x1000, s4;
	[dreg:$0x7] =	wrdreg s23  }
0x14: {  	s16 =	sadd.s32 $0x2000, s4;
	s17 =	sadd.s32 $0x2000, s26;
	[dreg:$0x8] =	wrdreg s24  }
0x15: {  	s26 =	simm.s32 $0x1;
	[dreg:$0x9] =	wrdreg s25;
	s23 =	simm.s32 $0xB400  }
0x16: {  	s25 =	simm.s32 $0xF400;
	s22 =	simm.s32 $0x8;
	s24 =	simm.s32 $0x0  }
.LBB2_1:
0x17: {  	s4 =	rddreg [dreg:$0x3]  }
0x18: {  	[tilespmem:s2], [sflag:$0x9] =	stream.linear.gather [hbm4b:s4+s2], $0x3400, $0x38;
	[tilespmem:$0x13400] =	vst v63  }
0x19: {  	_ =	swait.ge [sflag:s18], $0x3400  }
0x1a: {  	[sflag:s18] =	ssyncset.done $0x0  }
0x1b: {  	[sflag:s18] =	ssyncadd.s32 $0xFFFFCC00  }
0x1c: {  	[tilespmem:s20], [sflag:$0x1] =	stream.indirect.gather [hbm4b:s3+s19], $0x40, s2, s19, $0xb8;
	[tilespmem:$0x13400] =	vst v63  }
0x1d: {  	_ = 	snop  }
0x1e: {  	[tilespmem:s21], [sflag:$0x2] =	stream.indirect.gather [hbm4b:s3+s19], $0x40, s19, s19, $0xb8;
	[tilespmem:$0x13400] =	vst v63  }
0x1f: {  	s10 =	simm.s32 $0x200  }
0x20: {  	[tilespmem:s23], [sflag:$0x3] =	stream.indirect.gather [hbm4b:s3+s19], $0x40, s10, s19, $0xb8;
	[tilespmem:$0x13400] =	vst v63  }
0x21: {  	s5 =	simm.s32 $0x300  }
0x22: {  	[tilespmem:s25], [sflag:$0x4] =	stream.indirect.gather [hbm4b:s3+s19], $0x40, s5, s19, $0xb8;
	[tilespmem:$0x13400] =	vst v63  }
0x23: {  	_ =	swait.ge [sflag:s26], $0x4000  }
0x24: {  	[sflag:s26] =	ssyncset.done $0x0  }
0x25: {  	[sflag:s26] =	ssyncadd.s32 $0xFFFFC000  }
0x26: {  	_ =	swait.ge [sflag:s28], $0x4000  }
0x27: {  	[sflag:s28] =	ssyncset.done $0x0  }
0x28: {  	s6 =	rddreg [dreg:$0x4];
	[sflag:s28] =	ssyncadd.s32 $0xFFFFC000  }
0x29: {  	[hbm4b:s6+s2] =	stream.linear.scatter [tilespmem:s20], [sflag:$0x5], $0x4000, $0x38;
	[tilespmem:$0x13400] =	vst v63  }
0x2a: {  	s7 =	rddreg [dreg:$0x5]  }
0x2b: {  	[hbm4b:s7+s2] =	stream.linear.scatter [tilespmem:s21], [sflag:$0x6], $0x4000, $0x38;
	[tilespmem:$0x13400] =	vst v63  }
0x2c: {  	_ =	swait.ge [sflag:s29], $0x4000  }
0x2d: {  	[sflag:s29] =	ssyncset.done $0x0  }
0x2e: {  	[sflag:s29] =	ssyncadd.s32 $0xFFFFC000  }
0x2f: {  	_ =	swait.ge [sflag:s30], $0x4000  }
0x30: {  	[sflag:s30] =	ssyncset.done $0x0  }
0x31: {  	[sflag:s30] =	ssyncadd.s32 $0xFFFFC000  }
0x32: {  	[hbm4b:s15+s2] =	stream.linear.scatter [tilespmem:s23], [sflag:$0x7], $0x4000, $0x38;
	[tilespmem:$0x13400] =	vst v63  }
0x33: {  	_ = 	snop  }
0x34: {  	[hbm4b:s14+s2] =	stream.linear.scatter [tilespmem:s25], [sflag:$0x8], $0x4000, $0x38;
	[tilespmem:$0x13400] =	vst v63  }
0x35: {  	_ =	swait.ge [sflag:s31], $0x4000  }
0x36: {  	[sflag:s31] =	ssyncset.done $0x0  }
0x37: {  	[sflag:s31] =	ssyncadd.s32 $0xFFFFC000  }
0x38: {  	_ =	swait.ge [sflag:s1], $0x4000  }
0x39: {  	[sflag:s1] =	ssyncset.done $0x0  }
0x3a: {  	s8 =	simm.s32 $0x400;
	[sflag:s1] =	ssyncadd.s32 $0xFFFFC000  }
0x3b: {  	[tilespmem:s20], [sflag:$0x1] =	stream.indirect.gather [hbm4b:s3+s19], $0x40, s8, s19, $0xb8;
	[tilespmem:$0x13400] =	vst v63  }
0x3c: {  	s9 =	simm.s32 $0x500  }
0x3d: {  	[tilespmem:s21], [sflag:$0x2] =	stream.indirect.gather [hbm4b:s3+s19], $0x40, s9, s19, $0xb8;
	[tilespmem:$0x13400] =	vst v63  }
0x3e: {  	_ =	swait.ge [sflag:s26], $0x4000  }
0x3f: {  	[sflag:s26] =	ssyncset.done $0x0  }
0x40: {  	[sflag:s26] =	ssyncadd.s32 $0xFFFFC000  }
0x41: {  	_ =	swait.ge [sflag:s28], $0x4000  }
0x42: {  	[sflag:s28] =	ssyncset.done $0x0  }
0x43: {  	[sflag:s28] =	ssyncadd.s32 $0xFFFFC000  }
0x44: {  	[hbm4b:s16+s2] =	stream.linear.scatter [tilespmem:s20], [sflag:$0x5], $0x4000, $0x38;
	[tilespmem:$0x13400] =	vst v63  }
0x45: {  	_ = 	snop  }
0x46: {  	[hbm4b:s17+s2] =	stream.linear.scatter [tilespmem:s21], [sflag:$0x6], $0x4000, $0x38;
	[tilespmem:$0x13400] =	vst v63  }
0x47: {  	_ =	swait.ge [sflag:s0], $0x4000  }
0x48: {  	[sflag:s0] =	ssyncset.done $0x0  }
0x49: {  	s4 =	simm.s32 $0x1000;
	[sflag:s0] =	ssyncadd.s32 $0xFFFFC000  }
0x4a: {  	s10 =	simm.s32 $0x600;
	s5 =	sadd.s32 $0x2000, s17;
	_ =	swait.ge [sflag:s22], $0x4000  }
0x4b: {  	s6 =	sadd.s32 $0x2000, s16;
	s7 =	sadd.s32 $0x2000, s14;
	[sflag:s22] =	ssyncset.done $0x0  }
0x4c: {  	s8 =	sadd.s32 $0x2000, s15;
	s9 =	simm.s32 $0x700;
	[sflag:s22] =	ssyncadd.s32 $0xFFFFC000  }
0x4d: {  	[tilespmem:s23], [sflag:$0x3] =	stream.indirect.gather [hbm4b:s3+s19], $0x40, s10, s19, $0xb8;
	[tilespmem:$0x13400] =	vst v63  }
.LBB2_2:
0x4e: {  	[tilespmem:s25], [sflag:$0x4] =	stream.indirect.gather [hbm4b:s3+s19], $0x40, s9, s19, $0xb8;
	[tilespmem:$0x13400] =	vst v63  }
0x4f: {  	s9 =	smov.u32 s4  }
0x50: {  	p0 =	sne.s32 s4, $0xA000;
	s4 =	sadd.s32 $0x1000, s4;
	_ =	swait.ge [sflag:s29], $0x4000  }
0x51: {  	[sflag:s29] =	ssyncset.done $0x0  }
0x52: {  	[sflag:s29] =	ssyncadd.s32 $0xFFFFC000  }
0x53: {  	_ =	swait.ge [sflag:s30], $0x4000  }
0x54: {  	[sflag:s30] =	ssyncset.done $0x0  }
0x55: {  	[sflag:s30] =	ssyncadd.s32 $0xFFFFC000  }
0x56: {  	[hbm4b:s8+s2] =	stream.linear.scatter [tilespmem:s23], [sflag:$0x7], $0x4000, $0x38;
	[tilespmem:$0x13400] =	vst v63  }
0x57: {  	_ = 	snop  }
0x58: {  	[hbm4b:s7+s2] =	stream.linear.scatter [tilespmem:s25], [sflag:$0x8], $0x4000, $0x38;
	[tilespmem:$0x13400] =	vst v63  }
0x59: {  	_ =	swait.ge [sflag:s31], $0x4000  }
0x5a: {  	[sflag:s31] =	ssyncset.done $0x0  }
0x5b: {  	[sflag:s31] =	ssyncadd.s32 $0xFFFFC000  }
0x5c: {  	_ =	swait.ge [sflag:s1], $0x4000  }
0x5d: {  	s9 =	sshra.s32 s9, $0x2;
	[sflag:s1] =	ssyncset.done $0x0  }
0x5e: {  	s10 =	sadd.s32 $0x400, s9;
	[sflag:s1] =	ssyncadd.s32 $0xFFFFC000  }
0x5f: {  	[tilespmem:s20], [sflag:$0x1] =	stream.indirect.gather [hbm4b:s3+s19], $0x40, s10, s19, $0xb8;
	[tilespmem:$0x13400] =	vst v63  }
0x60: {  	s10 =	sadd.s32 $0x500, s9  }
0x61: {  	[tilespmem:s21], [sflag:$0x2] =	stream.indirect.gather [hbm4b:s3+s19], $0x40, s10, s19, $0xb8;
	[tilespmem:$0x13400] =	vst v63  }
0x62: {  	_ =	swait.ge [sflag:s26], $0x4000  }
0x63: {  	[sflag:s26] =	ssyncset.done $0x0  }
0x64: {  	[sflag:s26] =	ssyncadd.s32 $0xFFFFC000  }
0x65: {  	_ =	swait.ge [sflag:s28], $0x4000  }
0x66: {  	[sflag:s28] =	ssyncset.done $0x0  }
0x67: {  	[sflag:s28] =	ssyncadd.s32 $0xFFFFC000  }
0x68: {  	[hbm4b:s6+s2] =	stream.linear.scatter [tilespmem:s20], [sflag:$0x5], $0x4000, $0x38;
	[tilespmem:$0x13400] =	vst v63  }
0x69: {  	_ = 	snop  }
0x6a: {  	[hbm4b:s5+s2] =	stream.linear.scatter [tilespmem:s21], [sflag:$0x6], $0x4000, $0x38;
	[tilespmem:$0x13400] =	vst v63  }
0x6b: {  	_ =	swait.ge [sflag:s0], $0x4000  }
0x6c: {  	[sflag:s0] =	ssyncset.done $0x0  }
0x6d: {  	[sflag:s0] =	ssyncadd.s32 $0xFFFFC000  }
.Ltmp0:
0x6e: {  	_ =	swait.ge [sflag:s22], $0x4000;
	(pc) =	sbr.rel @p0 .LBB2_2-.Ltmp0, $4  }
0x6f: {  	s5 =	sadd.s32 $0x2000, s5;
	[sflag:s22] =	ssyncset.done $0x0  }
0x70: {  	s10 =	sadd.s32 $0x600, s9;
	s6 =	sadd.s32 $0x2000, s6;
	[sflag:s22] =	ssyncadd.s32 $0xFFFFC000  }
0x71: {  	[tilespmem:s23], [sflag:$0x3] =	stream.indirect.gather [hbm4b:s3+s19], $0x40, s10, s19, $0xb8;
	[tilespmem:$0x13400] =	vst v63  }
0x72: {  	s8 =	sadd.s32 $0x2000, s8;
	s7 =	sadd.s32 $0x2000, s7;
	s9 =	sadd.s32 $0x700, s9  }
0x73: {  	[tilespmem:s25], [sflag:$0x4] =	stream.indirect.gather [hbm4b:s3+s19], $0x40, s9, s19, $0xb8;
	[tilespmem:$0x13400] =	vst v63  }
0x74: {  	_ =	swait.ge [sflag:s29], $0x4000  }
0x75: {  	[sflag:s29] =	ssyncset.done $0x0  }
0x76: {  	[sflag:s29] =	ssyncadd.s32 $0xFFFFC000  }
0x77: {  	_ =	swait.ge [sflag:s30], $0x4000  }
0x78: {  	[sflag:s30] =	ssyncset.done $0x0  }
0x79: {  	s4 =	rddreg [dreg:$0x6];
	[sflag:s30] =	ssyncadd.s32 $0xFFFFC000  }
0x7a: {  	[hbm4b:s4+s2] =	stream.linear.scatter [tilespmem:s23], [sflag:$0x7], $0x4000, $0x38;
	[tilespmem:$0x13400] =	vst v63  }
0x7b: {  	s10 =	rddreg [dreg:$0x7]  }
0x7c: {  	[hbm4b:s10+s2] =	stream.linear.scatter [tilespmem:s25], [sflag:$0x8], $0x4000, $0x38;
	[tilespmem:$0x13400] =	vst v63  }
0x7d: {  	_ =	swait.ge [sflag:s31], $0x4000  }
0x7e: {  	[sflag:s31] =	ssyncset.done $0x0  }
0x7f: {  	[sflag:s31] =	ssyncadd.s32 $0xFFFFC000  }
0x80: {  	_ =	swait.ge [sflag:s1], $0x4000  }
0x81: {  	[sflag:s1] =	ssyncset.done $0x0  }
0x82: {  	s5 =	simm.s32 $0x3000;
	[sflag:s1] =	ssyncadd.s32 $0xFFFFC000  }
0x83: {  	[tilespmem:s20], [sflag:$0x1] =	stream.indirect.gather [hbm4b:s3+s19], $0x40, s5, s19, $0xb8;
	[tilespmem:$0x13400] =	vst v63  }
0x84: {  	s6 =	simm.s32 $0x3100  }
0x85: {  	[tilespmem:s21], [sflag:$0x2] =	stream.indirect.gather [hbm4b:s3+s19], $0x40, s6, s19, $0xb8;
	[tilespmem:$0x13400] =	vst v63  }
0x86: {  	_ =	swait.ge [sflag:s26], $0x4000  }
0x87: {  	[sflag:s26] =	ssyncset.done $0x0  }
0x88: {  	[sflag:s26] =	ssyncadd.s32 $0xFFFFC000  }
0x89: {  	_ =	swait.ge [sflag:s28], $0x4000  }
0x8a: {  	[sflag:s28] =	ssyncset.done $0x0  }
0x8b: {  	s7 =	rddreg [dreg:$0x8];
	[sflag:s28] =	ssyncadd.s32 $0xFFFFC000  }
0x8c: {  	[hbm4b:s7+s2] =	stream.linear.scatter [tilespmem:s20], [sflag:$0x5], $0x4000, $0x38;
	[tilespmem:$0x13400] =	vst v63  }
0x8d: {  	s8 =	rddreg [dreg:$0x9]  }
0x8e: {  	[hbm4b:s8+s2] =	stream.linear.scatter [tilespmem:s21], [sflag:$0x6], $0x4000, $0x38;
	[tilespmem:$0x13400] =	vst v63  }
0x8f: {  	_ =	swait.ge [sflag:s0], $0x4000  }
0x90: {  	[sflag:s0] =	ssyncset.done $0x0  }
0x91: {  	[sflag:s0] =	ssyncadd.s32 $0xFFFFC000  }
0x92: {  	_ =	swait.ge [sflag:s22], $0x4000  }
0x93: {  	[sflag:s22] =	ssyncset.done $0x0  }
0x94: {  	s9 =	simm.s32 $0x3200;
	[sflag:s22] =	ssyncadd.s32 $0xFFFFC000  }
0x95: {  	[tilespmem:s23], [sflag:$0x3] =	stream.indirect.gather [hbm4b:s3+s19], $0x40, s9, s19, $0xb8;
	[tilespmem:$0x13400] =	vst v63  }
0x96: {  	s10 =	simm.s32 $0x3300  }
0x97: {  	[tilespmem:s25], [sflag:$0x4] =	stream.indirect.gather [hbm4b:s3+s19], $0x40, s10, s19, $0xb8;
	[tilespmem:$0x13400] =	vst v63  }
0x98: {  	_ =	swait.ge [sflag:s29], $0x4000  }
0x99: {  	[sflag:s29] =	ssyncset.done $0x0  }
0x9a: {  	[sflag:s29] =	ssyncadd.s32 $0xFFFFC000  }
0x9b: {  	_ =	swait.ge [sflag:s30], $0x4000  }
0x9c: {  	[sflag:s30] =	ssyncset.done $0x0  }
0x9d: {  	[sflag:s30] =	ssyncadd.s32 $0xFFFFC000  }
0x9e: {  	[hbm4b:s11+s2] =	stream.linear.scatter [tilespmem:s23], [sflag:$0x7], $0x4000, $0x38;
	[tilespmem:$0x13400] =	vst v63  }
0x9f: {  	_ = 	snop  }
0xa0: {  	[hbm4b:s12+s2] =	stream.linear.scatter [tilespmem:s25], [sflag:$0x8], $0x4000, $0x38;
	[tilespmem:$0x13400] =	vst v63  }
0xa1: {  	_ =	swait.ge [sflag:s31], $0x4000  }
0xa2: {  	[sflag:s31] =	ssyncset.done $0x0  }
0xa3: {  	[sflag:s31] =	ssyncadd.s32 $0xFFFFC000  }
0xa4: {  	_ =	swait.ge [sflag:s1], $0x4000  }
0xa5: {  	[sflag:s1] =	ssyncset.done $0x0  }
0xa6: {  	s24 =	sadd.s32 $0x1, s24;
	[sflag:s1] =	ssyncadd.s32 $0xFFFFC000  }
0xa7: {  	p0 =	sne.s32 s24, s13;
	_ =	swait.ge [sflag:s0], $0x4000  }
.Ltmp1:
0xa8: {  	[sflag:s0] =	ssyncset.done $0x0;
	(pc) =	sbr.rel @p0 .LBB2_1-.Ltmp1, $4  }
0xa9: {  	[sflag:s0] =	ssyncadd.s32 $0xFFFFC000  }
0xaa: {  	_ =	swait.ge [sflag:s22], $0x4000  }
0xab: {  	[sflag:s22] =	ssyncset.done $0x0  }
0xac: {  	[sflag:s22] =	ssyncadd.s32 $0xFFFFC000  }
0xad: {  	_ =	sfence.sel $0x180000  }
0xae: {  	[bflag:$0x0] =	sbarrier.arrive $0xFFFF  }
0xaf: {  	_ =	strace $0x90000047  }
0xb0: {  	s0 =	stileid.u32;
	[bflag:$0x2] =	sbarrier.arrive $0xFFFF  }
0xb1: {  	p0 =	sne.s32 s0, $0x0;
	s0 =	rddreg [dreg:$0x2]  }
0xb2: {  	s0 =	sadd.s32 @!p0 $0x100000, s0  }
0xb3: {  	[sflag:s0] =	ssyncadd.tile.s32 @!p0 $0x1;
	_ =	shalt  }
.Lfunc_end2:
_tile_overlayer_lowered:
.L_overlay_start_2:
0xb4: {  	(tag) =	ssettag $0x2  }
0xb5: {  	s0 =	rddreg [dreg:$0x0];
	s2 =	stileid.u32  }
0xb6: {  	s1 =	rddreg [dreg:$0x1];
	p0 =	sne.s32 s2, $0x0  }
0xb7: {  	s3 =	rddreg [dreg:$0x2];
	[bflag:$0x3] =	sbarrier.arrive $0xFFFF;
	s2 =	simm.s32 @!p0 $0x1C09  }
0xb8: {  	[timem:s3], [sflag:s2] =	dma.local @!p0 [hbm:s0], s1  }
0xb9: {  	s0 =	simm.s32 @!p0 $0x9  }
0xba: {  	_ =	swait.ge @!p0 [sflag:s0], s1  }
0xbb: {  	s1 =	ssub.s32 @!p0 $0x0, s1;
	[sflag:s0] =	ssyncset.done @!p0 $0x0  }
0xbc: {  	[sflag:s0] =	ssyncadd.s32 @!p0 s1  }
0xbd: {  	[bflag:$0x3] =	sbarrier.arrive $0xFFFF  }
0xbe: {  	_ =	shalt  }

// kernel: sparse-core-data-format-call.cloned.1.call-start
scs
called_computation_lowered:
.L_overlay_start_0:
0x0: {  	s2 =	sld [smem:$0x3FD9]  }
0x1: {  	s3 =	sld [smem:$0x3FFE];
	_ =	sdelay $0x1  }
0x2: {  	s1 =	srdreg.scid  }
0x3: {  	s0 =	sand.u32 $0x1, s1  }
0x4: {  	s18 =	sshll.u32 s0, $0xA;
	s2 =	sadd.s32 s3, s2  }
0x5: {  	s2 =	sadd.s32 s2, s18  }
0x6: {  	[smem:$0x3FC6] =	sst s2  }
0x7: {  	_ = 	snop  }
0x8: {  	s2 =	sld [smem:$0x3FD0];
	(tm) =	ssettm $0x1  }
0x9: {  	s19 =	sld [smem:$0x3FFB];
	_ =	sdelay $0x3  }
0xa: {  	_ =	strace s19  }
0xb: {  	s3 =	sld [smem:$0x3FFC];
	_ =	sdelay $0x3  }
0xc: {  	_ =	strace s3  }
0xd: {  	s3 =	sld [smem:$0x3FFD];
	_ =	sdelay $0x3  }
0xe: {  	_ =	strace s3  }
0xf: {  	_ =	strace $0x8FFFFFFF  }
0x10: {  	s20 =	sld [smem:$0x3FDB];
	_ =	sdelay $0x1  }
0x11: {  	s4 =	simm.s32 $_scs_section_size  }
0x12: {  	s5 =	simm.s32 $_size__tile_overlayer_lowered;
	s6 =	simm.s32 $_tile_overlayer_lowered  }
0x13: {  	s23 =	simm.s32 $0x1BFF;
	s22 =	sshll.u32 s6, $0x1;
	s3 =	sadd.s32 s4, s20  }
0x14: {  	s7 =	simm.s32 $0x0;
	s21 =	sshll.u32 s5, $0x1;
	s5 =	sadd.s32 s22, s3  }
0x15: {  	[timem:s7], [sflag:s23] =	dma.local [hbm:s5], s21  }
0x16: {  	_ =	swait.ge [sflag:s23], s21  }
0x17: {  	s4 =	ssub.s32 $0x0, s21;
	[sflag:s23] =	ssyncset.done $0x0  }
0x18: {  	[sflag:s23] =	ssyncadd.s32 s4;
	_ =	sdelay $0x1  }
0x19: {  	s24 =	simm.s32 $0x1B8B  }
0x1a: {  	_ =	swait.ge [sflag:s24], $0x1  }
0x1b: {  	[sflag:s24] =	ssyncset.done $0x0  }
0x1c: {  	s26 =	simm.s32 $0x1B8E;
	s25 =	sld [smem:$0x3FFE];
	[sflag:s24] =	ssyncadd.s32 $0xFFFFFFFF  }
0x1d: {  	s27 =	simm.s32 $execute0_lowered;
	[smem:$0x3FD2] =	sst s26  }
0x1e: {  	s5 =	sshll.u32 s27, $0x1;
	_ =	strace $0x80000049;
	[dreg:$0x1] =	wrdreg $0xFFFFFFFF  }
0x1f: {  	s28 =	simm.s32 $_size_execute0_lowered;
	s3 =	sadd.s32 s3, s5;
	[dreg:$0x0] =	wrdreg $0x0  }
0x20: {  	s5 =	sshll.u32 s28, $0x1;
	[dreg:$0x2] =	wrdreg s3  }
0x21: {  	[dreg:$0x3] =	wrdreg s5  }
0x22: {  	[dreg:$0x4] =	wrdreg $0xC0  }
0x23: {  	_ =	task [dreg:s7], $0x5FFFF  }
0x24: {  	[dreg:$0x1] =	wrdreg $0xFFFFFFFF  }
0x25: {  	[dreg:$0x0] =	wrdreg $0x60  }
0x26: {  	[dreg:$0x2] =	wrdreg s25  }
0x27: {  	[dreg:$0x3] =	wrdreg s2  }
0x28: {  	[dreg:$0x4] =	wrdreg $0x9  }
0x29: {  	_ =	task.clear_ibuf [dreg:s7], $0x5FFFF;
	_ =	strace $0x90000049  }
0x2a: {  	s29 =	simm.s32 $0x9;
	_ =	strace $0x8000004B  }
0x2b: {  	_ =	swait.ge [sflag:s29], $0x1  }
0x2c: {  	[sflag:s29] =	ssyncadd.s32 $0xFFFFFFFF  }
0x2d: {  	_ =	strace $0x9000004B  }
0x2e: {  	_ =	sfence  }
0x2f: {  	s30 =	sld [smem:$0x0];
	_ =	sdelay $0x2  }
0x30: {  	s31 =	sshll.u32 s1, $0xD;
	s1 =	sshrl.u32 s1, $0x2  }
0x31: {  	s3 =	sand.u32 $0x4000, s31;
	s1 =	sadd.s32 s1, s30  }
0x32: {  	s0 =	sor.u32 s3, s0;
	s1 =	sshll.u32 s1, $0x11  }
0x33: {  	s0 =	sor.u32 s1, s0  }
0x34: {  	s0 =	sadd.s32 $0x8F2B, s0  }
0x35: {  	[sflag:s0] =	ssyncadd.remote.s32 $0x1  }
0x36: {  	_ =	sfence.sel $0xFFFF  }
0x37: {  	[dreg:$0x0] =	wrdreg $0xFFFFFFFF;
	(pc) =	sbr.abs _section_cstart, $3  }
0x38: {  	[dreg:$0x1] =	wrdreg $0xFFFFFFFF  }
0x39: {  	_ =	task.clear_ibuf [dreg:s7], $0x2FFFF;
	_ =	strace $0x9FFFFFFF  }
0x3a: {  	(tm) =	ssettm $0x7FFFFFFF  }
0x3b: {  	_ =	shalt  }
tec
execute0_lowered:
.L_overlay_start_1:
0x0: {  	(tag) =	ssettag $0x1  }
0x1: {  	s0 =	srdreg.scid  }
0x2: {  	s1 =	sshll.u32 s0, $0x4  }
0x3: {  	s4 =	rddreg [dreg:$0x0];
	s0 =	stileid.u32;
	s1 =	sand.u32 $0x10, s1  }
0x4: {  	s2 =	rddreg [dreg:$0x1];
	s7 =	simm.s32 $0x1;
	s1 =	sor.u32 s0, s1  }
0x5: {  	s8 =	simm.s32 $0x2;
	s11 =	simm.s32 $0x0;
	s3 =	sshll.u32 s1, $0x7  }
0x6: {  	s10 =	simm.s32 $0x0;
	s4 =	sadd.s32 $0xA00, s4;
	s6 =	ssub.s32 $0x68000, s3  }
.Ltmp0:
0x7: {  	s1 =	rddreg [dreg:$0x2];
	s5 =	sand.u32 $0xF80, s6;
	(pc) =	sbr.rel .LBB1_1-.Ltmp0, $4  }
0x8: {  	_ =	strace $0x8000004A;
	s9 =	smov.u32 s3;
	p0 =	sne.s32 s5, $0x0  }
0x9: {  	s6 =	sshrl.u32 s6, $0xC;
	s5 =	simm.s32 $0x1;
	s7 =	simm.s32 @!p0 $0x0  }
0xa: {  	[sflag:s5] =	ssyncpa.u1 $0x0;
	p0 =	por $0x0, $0x0;
	s6 =	sadd.s32 s7, s6  }
0xb: {  	[sflag:s8] =	ssyncpa.u1 $0x0;
	s8 =	simm.s32 $0x340000;
	s7 =	sadd.s32 $0x1, s6  }
.LBB1_4:
0xc: {  	s14 =	sshll.u32 s11, $0x3  }
0xd: {  	s30 =	sand.u32 $0x7F, s11;
	s15 =	sand.u32 $0xFFFFFC00, s14  }
0xe: {  	s11 =	sor.u32 s30, s15  }
0xf: {  	s15 =	smulhi.u32 $0x4EC4EC4F, s11  }
0x10: {  	s14 =	smulhi.u32 $0x4EC4EC4F, s14  }
0x11: {  	s15 =	sshrl.u32 s15, $0x11  }
0x12: {  	s14 =	sshrl.u32 s14, $0x11;
	s15 =	smul.u32 $0x68000, s15  }
0x13: {  	s14 =	sand.u32 $0x3F, s14  }
0x14: {  	s14 =	smul.u32 $0xD000, s14;
	s11 =	ssub.s32 s11, s15  }
0x15: {  	[tilespmem:s13+$0x810 ss:$0x81] =	vst.msk $0xffff, v2;
	s15 =	sand.u32 $0x7, s11  }
0x16: {  	[tilespmem:s13+$0x1020 ss:$0x81] =	vst.msk $0xffff, v0;
	s14 =	sadd.s32 s2, s14;
	s11 =	sshrl.u32 s11, $0x3;
	s15 =	sshll.u32 s15, $0x12  }
0x17: {  	[tilespmem:s13+$0x0 ss:$0x81] =	vst.msk $0xffff, v1;
	s11 =	sadd.s32 s11, s14;
	s31 =	sor.u32 $0x400, s15  }
0x18: {  	[hbm4b:s11+s31] =	stream.strided.scatter [tilespmem:s12], [sflag:$0x2], $0x2000, s8, s31, $0x20;
	[tilespmem:$0x8080] =	vst v63  }
.LBB1_5:
0x19: {  	s13 =	sadd.s32 $0x1000, s9  }
0x1a: {  	p2 =	sgt.s32 s13, $0x67FFF  }
0x1b: {  	s13 =	smov.u32 @p2 s3;
	p2 =	sne.s32 s10, s7  }
.Ltmp1:
0x1c: {  	p1 =	slt.u32 s10, $0x2;
	(pc) =	sbr.rel @!p2 .LBB1_6-.Ltmp1, $4  }
0x1d: {  	s12 =	simm.s32 @!p1 $0x2  }
0x1e: {  	s14 =	sadd.s32 $0x1, s10;
	_ =	swait.ge @!p1 [sflag:s12], $0x2000  }
0x1f: {  	s11 =	smov.u32 s9;
	p0 =	por !p0, !p0;
	[sflag:s12] =	ssyncset.done @!p1 $0x0  }
0x20: {  	s10 =	smov.u32 s14;
	s9 =	smov.u32 s13;
	[sflag:s12] =	ssyncadd.s32 @!p1 $0xFFFFE000  }
.LBB1_1:
0x21: {  	p1 =	sge.u32 s10, s6  }
0x22: {  	s12 =	sand.u32 @!p1 $0x1FFFFFF, s9  }
0x23: {  	s13 =	smulhi.u32 @!p1 $0x2762763, s12;
	_ =	sdelay $0x1  }
0x24: {  	s13 =	sshrl.u32 @!p1 s13, $0xC  }
0x25: {  	s13 =	smul.u32 @!p1 $0x68000, s13;
	_ =	sdelay $0x1  }
0x26: {  	s31 =	sadd.s32 $0xFFFFFFFF, s10;
	s14 =	sxor.u32 @!p1 $0xFFFFFFFF, s10;
	s12 =	ssub.s32 @!p1 s12, s13  }
0x27: {  	s15 =	simm.s32 @!p1 $0x80;
	s14 =	sshll.u32 @!p1 s14, $0xD;
	s12 =	sshll.u32 @!p1 s12, $0x4  }
0x28: {  	s13 =	sand.u32 @!p1 $0x2000, s14;
	s14 =	simm.s32 @!p1 $0x40;
	s12 =	sadd.s32 @!p1 s4, s12  }
0x29: {  	[tilespmem:s13], [sflag:$0x1] =	stream.strided.gather @!p1 [hbm4b:s12+s14], $0x2000, s15, s14, $0x38;
	[tilespmem:$0x8080] =	vst v63  }
0x2a: {  	p1 =	sge.u32 s31, s6  }
.Ltmp2:
0x2b: {  	_ = 	snop;
	(pc) =	sbr.rel @p1 .LBB1_5-.Ltmp2, $1  }
0x2c: {  	_ =	sdelay $0x3  }
0x2d: {  	s12 =	simm.s32 $0x1  }
0x2e: {  	_ =	swait.ge [sflag:s5], $0x2000;
	s12 =	simm.s32 @!p0 $0x0  }
0x2f: {  	[sflag:s5] =	ssyncset.done $0x0;
	s13 =	sshll.u32 s12, $0xD  }
0x30: {  	[sflag:s5] =	ssyncadd.s32 $0xFFFFE000;
	s16 =	sor.u32 $0x20, s13  }
0x31: {  	s12 =	smul.u32 $0x8100, s12;
	v3 =	vld [tilespmem:s16+$0x10]  }
0x32: {  	s30 =	sand.u32 $0x1, s10;
	v2 =	vld [tilespmem:s16+$0xFFFFFFF0]  }
0x33: {  	s13 =	smul.u32 $0x8100, s30;
	s12 =	sshrl.u32 s12, $0x2;
	v0 =	vld [tilespmem:s16+$0x0]  }
0x34: {  	v1 =	vld [tilespmem:s16+$0xFFFFFFE0];
	s14 =	sor.u32 $0x4000, s12  }
0x35: {  	s31 =	sshrl.u32 s13, $0x2;
	s13 =	sadd.s32 $0x0, s14  }
0x36: {  	s15 =	simm.s32 $0x4;
	s16 =	sadd.s32 $0x40, s16;
	s12 =	sor.u32 $0x4000, s31;
	[tilespmem:s13+$0x1830 ss:$0x81] =	vst.msk $0xffff, v3  }
.LBB1_3:
0x37: {  	v3 =	vld [tilespmem:s16+$0x10];
	p1 =	sne.s32 s15, $0x1FC;
	[tilespmem:s13+$0x810 ss:$0x81] =	vst.msk $0xffff, v2;
	s17 =	smov.u32 s15;
	s15 =	sadd.s32 $0x4, s15  }
.Ltmp3:
0x38: {  	v2 =	vld [tilespmem:s16+$0xFFFFFFF0];
	[tilespmem:s13+$0x1020 ss:$0x81] =	vst.msk $0xffff, v0;
	(pc) =	sbr.rel @p1 .LBB1_3-.Ltmp3, $4  }
0x39: {  	v0 =	vld [tilespmem:s16+$0x0];
	[tilespmem:s13+$0x0 ss:$0x81] =	vst.msk $0xffff, v1  }
0x3a: {  	s13 =	sshra.s32 s17, $0x2;
	v1 =	vld [tilespmem:s16+$0xFFFFFFE0]  }
0x3b: {  	s13 =	sadd.s32 s13, s14  }
0x3c: {  	s16 =	sadd.s32 $0x40, s16;
	[tilespmem:s13+$0x1830 ss:$0x81] =	vst.msk $0xffff, v3  }
.Ltmp4:
0x3d: {  	_ = 	snop;
	(pc) =	sbr.rel .LBB1_4-.Ltmp4, $1  }
0x3e: {  	_ =	sdelay $0x3  }
.LBB1_6:
0x3f: {  	_ =	sfence.sel $0x180000  }
0x40: {  	s2 =	simm.s32 $0x1;
	[bflag:$0x0] =	sbarrier.arrive $0xFFFF  }
0x41: {  	s31 =	simm.s32 $0x2;
	[sflag:s2] =	ssyncpa.u1 $0x1  }
0x42: {  	[sflag:s31] =	ssyncpa.u1 $0x1  }
0x43: {  	p0 =	sne.s32 s0, $0x0;
	_ =	strace $0x9000004A  }
0x44: {  	s0 =	sadd.s32 @!p0 $0x100000, s1;
	[bflag:$0x2] =	sbarrier.arrive $0xFFFF  }
0x45: {  	[sflag:s0] =	ssyncadd.tile.s32 @!p0 $0x1;
	_ =	shalt  }
.Lfunc_end1:
_tile_overlayer_lowered:
.L_overlay_start_2:
0x46: {  	(tag) =	ssettag $0x2  }
0x47: {  	s0 =	rddreg [dreg:$0x0];
	s2 =	stileid.u32  }
0x48: {  	s1 =	rddreg [dreg:$0x1];
	p0 =	sne.s32 s2, $0x0  }
0x49: {  	s3 =	rddreg [dreg:$0x2];
	[bflag:$0x3] =	sbarrier.arrive $0xFFFF;
	s2 =	simm.s32 @!p0 $0x1C01  }
0x4a: {  	[timem:s3], [sflag:s2] =	dma.local @!p0 [hbm:s0], s1  }
0x4b: {  	s0 =	simm.s32 @!p0 $0x1  }
0x4c: {  	_ =	swait.ge @!p0 [sflag:s0], s1  }
0x4d: {  	s1 =	ssub.s32 @!p0 $0x0, s1;
	[sflag:s0] =	ssyncset.done @!p0 $0x0  }
0x4e: {  	[sflag:s0] =	ssyncadd.s32 @!p0 s1  }
0x4f: {  	[bflag:$0x3] =	sbarrier.arrive $0xFFFF  }
0x50: {  	_ =	shalt  }

</sc_bundles>
